<compile_context>
chip_gen: v7x
topology: tpu7x:2x2x1
jax: 0.10.2.dev20260603
libtpu: 0.0.44.dev20260713+nightly
codegen_flags: <defaults>
</compile_context>

<pallas_src>
import functools

import jax
import jax.numpy as jnp
from jax import lax
from jax.experimental import pallas as pl
from jax.experimental.pallas import tpu as pltpu
from jax.experimental.pallas import tpu_sc as plsc


def _y_body(c_ref, w_ref, b_ref, o_ref):
    o_ref[...] = jnp.dot(c_ref[...], w_ref[...],
                         preferred_element_type=jnp.float32) + b_ref[...]


def _combine_body(y_ref, l_ref, w_ref, b_ref, o_ref):
    yv = y_ref[...]
    sl = l_ref[...]
    w = w_ref[...]

    def dd(a_, w_):
        return jnp.dot(a_, w_, preferred_element_type=jnp.float32)

    zdot = dd(sl[:, :256], w[:256]) + dd(sl[:, 256:], w[256:])
    o_ref[...] = yv + (zdot + b_ref[...])


def _argmin_body(x_ref, cb_ref, xn_ref, cn_ref, idx_ref, acc_ref):
    i = pl.program_id(0)
    k = cb_ref.shape[0]
    kc = 1024
    xv = x_ref[...]
    xn = xn_ref[...]
    bv = bi = None
    for c in range(k // kc):
        cbc = cb_ref[pl.ds(c * kc, kc), :]
        s = lax.dot_general(xv, cbc, (((1,), (1,)), ((), ())),
                            preferred_element_type=jnp.float32)
        v = (xn - 2.0 * s) + cn_ref[:, pl.ds(c * kc, kc)]
        mv = jnp.min(v, axis=-1, keepdims=True)
        iota = c * kc + lax.broadcasted_iota(jnp.int32, v.shape, 1)
        mi = jnp.min(jnp.where(v == mv, iota, k), axis=-1, keepdims=True)
        if c == 0:
            bv, bi = mv, mi
        else:
            better = mv < bv
            bi = jnp.where(better, mi, bi)
            bv = jnp.where(better, mv, bv)
    idx_ref[...] = bi[:, 0]
    tile_sum = jnp.sum(bv).reshape(1, 1)

    @pl.when(i == 0)
    def _():
        acc_ref[...] = tile_sum

    @pl.when(i > 0)
    def _():
        acc_ref[...] += tile_sum


def _make_sc_gather(d, t):
    info = plsc.get_sparse_core_info()
    nw = info.num_cores * info.num_subcores
    bpw = t // nw
    mesh = plsc.VectorSubcoreMesh(core_axis_name="c", subcore_axis_name="s")

    @functools.partial(
        pl.kernel, mesh=mesh,
        out_type=jax.ShapeDtypeStruct((t, d), jnp.float32),
        scratch_types=[pltpu.VMEM((bpw,), jnp.int32),
                       pltpu.VMEM((bpw, d), jnp.float32),
                       pltpu.SemaphoreType.DMA],
    )
    def gather_k(table_hbm, idx_hbm, out_hbm, idx_v, rows_v, sem):
        wid = lax.axis_index("s") * info.num_cores + lax.axis_index("c")
        base = wid * bpw
        pltpu.sync_copy(idx_hbm.at[pl.ds(base, bpw)], idx_v)
        pltpu.async_copy(table_hbm.at[idx_v], rows_v, sem).wait()
        pltpu.sync_copy(rows_v, out_hbm.at[pl.ds(base, bpw)])

    return gather_k


def kernel(x, frozen_codebook, W1, b1, W2, b2):
    B, N, D = x.shape
    K, CD = frozen_codebook.shape
    T = B * N
    xs = x.reshape(T, D)

    KB = 1024
    y = pl.pallas_call(
        _y_body,
        grid=(K // KB,),
        in_specs=[
            pl.BlockSpec((KB, CD), lambda i: (i, 0)),
            pl.BlockSpec((CD, D), lambda i: (0, 0)),
            pl.BlockSpec((1, D), lambda i: (0, 0)),
        ],
        out_specs=pl.BlockSpec((KB, D), lambda i: (i, 0)),
        out_shape=jax.ShapeDtypeStruct((K, D), jnp.float32),
    )(frozen_codebook.astype(jnp.bfloat16), W1.astype(jnp.bfloat16),
      b1.reshape(1, D))

    l = jax.nn.selu(y)

    cb = pl.pallas_call(
        _combine_body,
        grid=(K // KB,),
        in_specs=[
            pl.BlockSpec((KB, D), lambda i: (i, 0)),
            pl.BlockSpec((KB, D), lambda i: (i, 0)),
            pl.BlockSpec((D, D), lambda i: (0, 0)),
            pl.BlockSpec((1, D), lambda i: (0, 0)),
        ],
        out_specs=pl.BlockSpec((KB, D), lambda i: (i, 0)),
        out_shape=jax.ShapeDtypeStruct((K, D), jnp.float32),
    )(y, l.astype(jnp.bfloat16), W2.astype(jnp.bfloat16), b2.reshape(1, D))

    xn = jnp.sum(xs * xs, axis=-1, keepdims=True)
    cn = jnp.sum(cb * cb, axis=-1)[None, :]

    TM = 512
    indices, d2sum = pl.pallas_call(
        _argmin_body,
        grid=(T // TM,),
        in_specs=[
            pl.BlockSpec((TM, D), lambda i: (i, 0)),
            pl.BlockSpec((K, D), lambda i: (0, 0)),
            pl.BlockSpec((TM, 1), lambda i: (i, 0)),
            pl.BlockSpec((1, K), lambda i: (0, 0)),
        ],
        out_specs=[
            pl.BlockSpec((TM,), lambda i: (i,)),
            pl.BlockSpec((1, 1), lambda i: (0, 0)),
        ],
        out_shape=[
            jax.ShapeDtypeStruct((T,), jnp.int32),
            jax.ShapeDtypeStruct((1, 1), jnp.float32),
        ],
    )(xs.astype(jnp.bfloat16), cb.astype(jnp.bfloat16), xn, cn)

    quantized = _make_sc_gather(D, T)(cb, indices)

    commit_loss = 1.25 * d2sum[0, 0] / (T * D)
    return quantized.reshape(B, N, D), indices.reshape(B, N), commit_loss

# --- scband reference (transcript-rebuilt; emitter-appended) ---
"""Pipeline reference for scband-sim-vq-64278480552679 (READ-ONLY COPY).

The authoritative reference and input builder live on the scoring server;
editing this copy changes nothing except your own understanding.
"""

import jax, jax.numpy as jnp
import numpy as np


def setup_inputs(seed: int = 0) -> dict:
    key = jax.random.key(seed)
    ks = jax.random.split(key, 6)
    B, N, D = 16, 576, 384
    K, CD = 8192, 64
    x = jax.random.normal(ks[0], (B, N, D), dtype=jnp.float32)
    frozen_codebook = jax.random.normal(ks[1], (K, CD), dtype=jnp.float32) * (CD ** -0.5)
    lim1 = 1.0 / float(np.sqrt(CD))
    W1 = jax.random.uniform(ks[2], (CD, D), minval=-lim1, maxval=lim1, dtype=jnp.float32)
    b1 = jax.random.uniform(ks[3], (D,), minval=-lim1, maxval=lim1, dtype=jnp.float32)
    lim2 = 1.0 / float(np.sqrt(D))
    W2 = jax.random.uniform(ks[4], (D, D), minval=-lim2, maxval=lim2, dtype=jnp.float32)
    b2 = jax.random.uniform(ks[5], (D,), minval=-lim2, maxval=lim2, dtype=jnp.float32)
    return {"x": x, "frozen_codebook": frozen_codebook, "W1": W1, "b1": b1, "W2": W2, "b2": b2}


def _code_transform(codebook, W1, b1, W2, b2):
    # code_transform_linear followed by residual SELU->Linear branch
    y = codebook @ W1 + b1
    return y + (jax.nn.selu(y) @ W2 + b2)


def reference(x, frozen_codebook, W1, b1, W2, b2):
    # x: [B, N, D]; pack_one('b * d') is identity for 3D input
    implicit_codebook = _code_transform(frozen_codebook, W1, b1, W2, b2)  # [K, D]
    # nearest-code search (torch.no_grad block): squared euclidean argmin == cdist argmin
    cb = jax.lax.stop_gradient(implicit_codebook)
    xs = jax.lax.stop_gradient(x)
    d2 = (jnp.sum(xs * xs, axis=-1, keepdims=True)
          - 2.0 * jnp.einsum('bnd,kd->bnk', xs, cb)
          + jnp.sum(cb * cb, axis=-1)[None, None, :])
    indices = jnp.argmin(d2, axis=-1)  # [B, N]
    quantized = jnp.take(implicit_codebook, indices, axis=0)  # [B, N, D]
    commit_loss = (jnp.mean((jax.lax.stop_gradient(x) - quantized) ** 2)
                   + 0.25 * jnp.mean((x - jax.lax.stop_gradient(quantized)) ** 2))
    # straight-through estimator (rotation_trick=False)
    quantized_st = jax.lax.stop_gradient(quantized - x) + x
    return quantized_st, indices, commit_loss

if __name__ == "__main__":
    import jax
    _d = setup_inputs()
    print(jax.jit(kernel)(*tuple(_d.values())))

</pallas_src>

<mosaic_0001>
#map = affine_map<(d0, d1) -> (0, 0)>
#map1 = affine_map<(d0, d1) -> (0)>
module attributes {stable_mosaic.version = 14 : i64} {
  func.func @gather_k(%arg0: i32, %arg1: i32, %arg2: memref<8192x384xf32, #tpu.memory_space<hbm>>, %arg3: memref<9216xi32, #tpu.memory_space<hbm>>, %arg4: memref<9216x384xf32, #tpu.memory_space<hbm>>, %arg5: memref<288xi32, #tpu.memory_space<vmem>>, %arg6: memref<288x384xf32, #tpu.memory_space<vmem>>, %arg7: memref<!tpu.dma_semaphore, #tpu.memory_space<semaphore_mem>>) attributes {dimension_semantics = [#tpu.dimension_semantics<core_parallel>, #tpu.dimension_semantics<subcore_parallel>], iteration_bounds = array<i64: 2, 16>, scalar_prefetch = 0 : i64, scratch_operands = 3 : i64, tpu.core_type = #tpu.core_type<sc_vector_subcore>, window_params = [{transform_indices = #map}, {transform_indices = #map1}, {transform_indices = #map}]} {
    %mul3A = arith.constant 2 : i32
    %mul3A_0 = arith.muli %arg1, %mul3A : i32
    %add3A = arith.addi %mul3A_0, %arg0 : i32
    %mul3A_1 = arith.constant 288 : i32
    %mul3A_2 = arith.muli %add3A, %mul3A_1 : i32
    "tpu.region"() ({
      %run_scoped3A = tpu.sem_alloc : memref<!tpu.dma_semaphore, #tpu.memory_space<semaphore_mem>>
      %dma_start3A_7 = tpu.memref_slice %arg3[%mul3A_2] : memref<9216xi32, #tpu.memory_space<hbm>> -> memref<288xi32, #tpu.memory_space<hbm>>
      %dma_start3A_8 = tpu.memref_slice %arg3[%mul3A_2] : memref<9216xi32, #tpu.memory_space<hbm>> -> memref<288xi32, #tpu.memory_space<hbm>>
      tpu.enqueue_dma source(%dma_start3A_8 : memref<288xi32, #tpu.memory_space<hbm>>) target(%arg5 : memref<288xi32, #tpu.memory_space<vmem>>) target_semaphore(%run_scoped3A : memref<!tpu.dma_semaphore, #tpu.memory_space<semaphore_mem>>)
      %dma_wait3A_9 = tpu.memref_slice %arg3[%mul3A_2] : memref<9216xi32, #tpu.memory_space<hbm>> -> memref<288xi32, #tpu.memory_space<hbm>>
      %dma_wait3A_10 = tpu.memref_slice %arg3[%mul3A_2] : memref<9216xi32, #tpu.memory_space<hbm>> -> memref<288xi32, #tpu.memory_space<hbm>>
      tpu.wait_dma2 semaphore(%run_scoped3A : memref<!tpu.dma_semaphore, #tpu.memory_space<semaphore_mem>>) src(%dma_wait3A_10 : memref<288xi32, #tpu.memory_space<hbm>>) dst(%arg5 : memref<288xi32, #tpu.memory_space<vmem>>)
      tpu.yield
    }) : () -> ()
    %dma_start3A = arith.constant 0 : i32
    %dma_start3A_3 = arith.constant 0 : i32
    %dma_start3A_4 = tpu.memref_slice %arg2[%dma_start3A, %dma_start3A_3] : memref<8192x384xf32, #tpu.memory_space<hbm>> -> memref<8192x384xf32, #tpu.memory_space<hbm>>
    tpu.enqueue_indirect_dma source(%dma_start3A_4 : memref<8192x384xf32, #tpu.memory_space<hbm>>) target(%arg6 : memref<288x384xf32, #tpu.memory_space<vmem>>) offsets(%arg5 : memref<288xi32, #tpu.memory_space<vmem>>) semaphore(%arg7 : memref<!tpu.dma_semaphore, #tpu.memory_space<semaphore_mem>>)
    %dma_wait3A = arith.constant 0 : i32
    %dma_wait3A_5 = arith.constant 0 : i32
    %dma_wait3A_6 = tpu.memref_slice %arg2[%dma_wait3A, %dma_wait3A_5] : memref<8192x384xf32, #tpu.memory_space<hbm>> -> memref<8192x384xf32, #tpu.memory_space<hbm>>
    tpu.wait_indirect_dma semaphore(%arg7 : memref<!tpu.dma_semaphore, #tpu.memory_space<semaphore_mem>>) src(%dma_wait3A_6 : memref<8192x384xf32, #tpu.memory_space<hbm>>) dst(%arg6 : memref<288x384xf32, #tpu.memory_space<vmem>>)
    "tpu.region"() ({
      %run_scoped3A = tpu.sem_alloc : memref<!tpu.dma_semaphore, #tpu.memory_space<semaphore_mem>>
      %dma_start3A_7 = arith.constant 0 : i32
      %dma_start3A_8 = tpu.memref_slice %arg4[%mul3A_2, %dma_start3A_7] : memref<9216x384xf32, #tpu.memory_space<hbm>> -> memref<288x384xf32, #tpu.memory_space<hbm>>
      %dma_start3A_9 = arith.constant 0 : i32
      %dma_start3A_10 = tpu.memref_slice %arg4[%mul3A_2, %dma_start3A_9] : memref<9216x384xf32, #tpu.memory_space<hbm>> -> memref<288x384xf32, #tpu.memory_space<hbm>>
      tpu.enqueue_dma source(%arg6 : memref<288x384xf32, #tpu.memory_space<vmem>>) target(%dma_start3A_10 : memref<288x384xf32, #tpu.memory_space<hbm>>) target_semaphore(%run_scoped3A : memref<!tpu.dma_semaphore, #tpu.memory_space<semaphore_mem>>)
      %dma_wait3A_11 = arith.constant 0 : i32
      %dma_wait3A_12 = tpu.memref_slice %arg4[%mul3A_2, %dma_wait3A_11] : memref<9216x384xf32, #tpu.memory_space<hbm>> -> memref<288x384xf32, #tpu.memory_space<hbm>>
      %dma_wait3A_13 = arith.constant 0 : i32
      %dma_wait3A_14 = tpu.memref_slice %arg4[%mul3A_2, %dma_wait3A_13] : memref<9216x384xf32, #tpu.memory_space<hbm>> -> memref<288x384xf32, #tpu.memory_space<hbm>>
      tpu.wait_dma2 semaphore(%run_scoped3A : memref<!tpu.dma_semaphore, #tpu.memory_space<semaphore_mem>>) src(%arg6 : memref<288x384xf32, #tpu.memory_space<vmem>>) dst(%dma_wait3A_14 : memref<288x384xf32, #tpu.memory_space<hbm>>)
      tpu.yield
    }) : () -> ()
    return
  }
}

module attributes {stable_mosaic.version = 14 : i64} {
  func.func @_y_body(%arg0: i32, %arg1: memref<1024x64xbf16, #tpu.memory_space<vmem>>, %arg2: memref<64x384xbf16, #tpu.memory_space<vmem>>, %arg3: memref<1x384xf32, #tpu.memory_space<vmem>>, %arg4: memref<1024x384xf32, #tpu.memory_space<vmem>>) attributes {dimension_semantics = [#tpu.dimension_semantics<arbitrary>], iteration_bounds = array<i64: 8>, scalar_prefetch = 0 : i64, scratch_operands = 0 : i64, tpu.core_type = #tpu.core_type<tc>, window_params = [{transform_indices = @transform_0, window_bounds = array<i64: 1024, 64>}, {pipeline_mode = #tpu.pipeline_mode<synchronous>, transform_indices = @transform_1, window_bounds = array<i64: 64, 384>}, {pipeline_mode = #tpu.pipeline_mode<synchronous>, transform_indices = @transform_2, window_bounds = array<i64: 1, 384>}, {transform_indices = @transform_3, window_bounds = array<i64: 1024, 384>}]} {
    %get3A = arith.constant 0 : index
    %get3A_0 = arith.constant 0 : index
    %get3A_1 = vector.load %arg1[%get3A, %get3A_0] : memref<1024x64xbf16, #tpu.memory_space<vmem>>, vector<1024x64xbf16>
    %get3A_2 = arith.constant 0 : index
    %get3A_3 = arith.constant 0 : index
    %get3A_4 = vector.load %arg2[%get3A_2, %get3A_3] : memref<64x384xbf16, #tpu.memory_space<vmem>>, vector<64x384xbf16>
    %dot_general3A = arith.constant dense<0.000000e+00> : vector<1024x384xf32>
    %dot_general3A_5 = tpu.matmul %get3A_1, %get3A_4, %dot_general3A {dimension_numbers = #tpu.dot_dimension_numbers<[1], [0], [0], [1], [0, 0, 1, 1], [], []>, transpose_lhs_hint = false} : vector<1024x64xbf16>, vector<64x384xbf16>, vector<1024x384xf32> -> vector<1024x384xf32>
    %get3A_6 = arith.constant 0 : index
    %get3A_7 = arith.constant 0 : index
    %get3A_8 = vector.load %arg3[%get3A_6, %get3A_7] : memref<1x384xf32, #tpu.memory_space<vmem>>, vector<1x384xf32>
    %add3A = vector.broadcast %get3A_8 : vector<1x384xf32> to vector<1024x384xf32>
    %add3A_9 = arith.addf %dot_general3A_5, %add3A : vector<1024x384xf32>
    %swap3A = arith.constant 0 : index
    %swap3A_10 = arith.constant 0 : index
    %swap3A_11 = vector.load %arg4[%swap3A, %swap3A_10] : memref<1024x384xf32, #tpu.memory_space<vmem>>, vector<1024x384xf32>
    tpu.vector_store %arg4[%swap3A, %swap3A_10], %add3A_9 {strides = array<i32>} : memref<1024x384xf32, #tpu.memory_space<vmem>>, vector<1024x384xf32>,
    return
  }
  func.func @transform_0(%arg0: i32) -> (i32, i32) {
    %c0_i32 = arith.constant 0 : i32
    %c0_i32_0 = arith.constant 0 : i32
    return %arg0, %c0_i32 : i32, i32
  }
  func.func @transform_1(%arg0: i32) -> (i32, i32) {
    %c0_i32 = arith.constant 0 : i32
    %c0_i32_0 = arith.constant 0 : i32
    %c0_i32_1 = arith.constant 0 : i32
    return %c0_i32, %c0_i32_0 : i32, i32
  }
  func.func @transform_2(%arg0: i32) -> (i32, i32) {
    %c0_i32 = arith.constant 0 : i32
    %c0_i32_0 = arith.constant 0 : i32
    %c0_i32_1 = arith.constant 0 : i32
    return %c0_i32, %c0_i32_0 : i32, i32
  }
  func.func @transform_3(%arg0: i32) -> (i32, i32) {
    %c0_i32 = arith.constant 0 : i32
    %c0_i32_0 = arith.constant 0 : i32
    return %arg0, %c0_i32 : i32, i32
  }
}

module attributes {stable_mosaic.version = 14 : i64} {
  func.func @_combine_body(%arg0: i32, %arg1: memref<1024x384xf32, #tpu.memory_space<vmem>>, %arg2: memref<1024x384xbf16, #tpu.memory_space<vmem>>, %arg3: memref<384x384xbf16, #tpu.memory_space<vmem>>, %arg4: memref<1x384xf32, #tpu.memory_space<vmem>>, %arg5: memref<1024x384xf32, #tpu.memory_space<vmem>>) attributes {dimension_semantics = [#tpu.dimension_semantics<arbitrary>], iteration_bounds = array<i64: 8>, scalar_prefetch = 0 : i64, scratch_operands = 0 : i64, tpu.core_type = #tpu.core_type<tc>, window_params = [{transform_indices = @transform_0, window_bounds = array<i64: 1024, 384>}, {transform_indices = @transform_1, window_bounds = array<i64: 1024, 384>}, {pipeline_mode = #tpu.pipeline_mode<synchronous>, transform_indices = @transform_2, window_bounds = array<i64: 384, 384>}, {pipeline_mode = #tpu.pipeline_mode<synchronous>, transform_indices = @transform_3, window_bounds = array<i64: 1, 384>}, {transform_indices = @transform_4, window_bounds = array<i64: 1024, 384>}]} {
    %get3A = arith.constant 0 : index
    %get3A_0 = arith.constant 0 : index
    %get3A_1 = vector.load %arg1[%get3A, %get3A_0] : memref<1024x384xf32, #tpu.memory_space<vmem>>, vector<1024x384xf32>
    %get3A_2 = arith.constant 0 : index
    %get3A_3 = arith.constant 0 : index
    %get3A_4 = vector.load %arg2[%get3A_2, %get3A_3] : memref<1024x384xbf16, #tpu.memory_space<vmem>>, vector<1024x384xbf16>
    %get3A_5 = arith.constant 0 : index
    %get3A_6 = arith.constant 0 : index
    %get3A_7 = vector.load %arg3[%get3A_5, %get3A_6] : memref<384x384xbf16, #tpu.memory_space<vmem>>, vector<384x384xbf16>
    %slice3A = vector.extract_strided_slice %get3A_4 {offsets = [0, 0], sizes = [1024, 256], strides = [1, 1]} : vector<1024x384xbf16> to vector<1024x256xbf16>
    %slice3A_8 = vector.extract_strided_slice %get3A_7 {offsets = [0, 0], sizes = [256, 384], strides = [1, 1]} : vector<384x384xbf16> to vector<256x384xbf16>
    %dot_general3A = arith.constant dense<0.000000e+00> : vector<1024x384xf32>
    %dot_general3A_9 = tpu.matmul %slice3A, %slice3A_8, %dot_general3A {dimension_numbers = #tpu.dot_dimension_numbers<[1], [0], [0], [1], [0, 0, 1, 1], [], []>, transpose_lhs_hint = false} : vector<1024x256xbf16>, vector<256x384xbf16>, vector<1024x384xf32> -> vector<1024x384xf32>
    %slice3A_10 = vector.extract_strided_slice %get3A_4 {offsets = [0, 256], sizes = [1024, 128], strides = [1, 1]} : vector<1024x384xbf16> to vector<1024x128xbf16>
    %slice3A_11 = vector.extract_strided_slice %get3A_7 {offsets = [256, 0], sizes = [128, 384], strides = [1, 1]} : vector<384x384xbf16> to vector<128x384xbf16>
    %dot_general3A_12 = arith.constant dense<0.000000e+00> : vector<1024x384xf32>
    %dot_general3A_13 = tpu.matmul %slice3A_10, %slice3A_11, %dot_general3A_12 {dimension_numbers = #tpu.dot_dimension_numbers<[1], [0], [0], [1], [0, 0, 1, 1], [], []>, transpose_lhs_hint = false} : vector<1024x128xbf16>, vector<128x384xbf16>, vector<1024x384xf32> -> vector<1024x384xf32>
    %add3A = arith.addf %dot_general3A_9, %dot_general3A_13 : vector<1024x384xf32>
    %get3A_14 = arith.constant 0 : index
    %get3A_15 = arith.constant 0 : index
    %get3A_16 = vector.load %arg4[%get3A_14, %get3A_15] : memref<1x384xf32, #tpu.memory_space<vmem>>, vector<1x384xf32>
    %add3A_17 = vector.broadcast %get3A_16 : vector<1x384xf32> to vector<1024x384xf32>
    %add3A_18 = arith.addf %add3A, %add3A_17 : vector<1024x384xf32>
    %add3A_19 = arith.addf %get3A_1, %add3A_18 : vector<1024x384xf32>
    %swap3A = arith.constant 0 : index
    %swap3A_20 = arith.constant 0 : index
    %swap3A_21 = vector.load %arg5[%swap3A, %swap3A_20] : memref<1024x384xf32, #tpu.memory_space<vmem>>, vector<1024x384xf32>
    tpu.vector_store %arg5[%swap3A, %swap3A_20], %add3A_19 {strides = array<i32>} : memref<1024x384xf32, #tpu.memory_space<vmem>>, vector<1024x384xf32>,
    return
  }
  func.func @transform_0(%arg0: i32) -> (i32, i32) {
    %c0_i32 = arith.constant 0 : i32
    %c0_i32_0 = arith.constant 0 : i32
    return %arg0, %c0_i32 : i32, i32
  }
  func.func @transform_1(%arg0: i32) -> (i32, i32) {
    %c0_i32 = arith.constant 0 : i32
    %c0_i32_0 = arith.constant 0 : i32
    return %arg0, %c0_i32 : i32, i32
  }
  func.func @transform_2(%arg0: i32) -> (i32, i32) {
    %c0_i32 = arith.constant 0 : i32
    %c0_i32_0 = arith.constant 0 : i32
    %c0_i32_1 = arith.constant 0 : i32
    return %c0_i32, %c0_i32_0 : i32, i32
  }
  func.func @transform_3(%arg0: i32) -> (i32, i32) {
    %c0_i32 = arith.constant 0 : i32
    %c0_i32_0 = arith.constant 0 : i32
    %c0_i32_1 = arith.constant 0 : i32
    return %c0_i32, %c0_i32_0 : i32, i32
  }
  func.func @transform_4(%arg0: i32) -> (i32, i32) {
    %c0_i32 = arith.constant 0 : i32
    %c0_i32_0 = arith.constant 0 : i32
    return %arg0, %c0_i32 : i32, i32
  }
}

module attributes {stable_mosaic.version = 14 : i64} {
  func.func @_argmin_body(%arg0: i32, %arg1: memref<512x384xbf16, #tpu.memory_space<vmem>>, %arg2: memref<8192x384xbf16, #tpu.memory_space<vmem>>, %arg3: memref<512x1xf32, #tpu.memory_space<vmem>>, %arg4: memref<1x8192xf32, #tpu.memory_space<vmem>>, %arg5: memref<512xi32, #tpu.memory_space<vmem>>, %arg6: memref<1x1xf32, #tpu.memory_space<vmem>>) attributes {dimension_semantics = [#tpu.dimension_semantics<arbitrary>], iteration_bounds = array<i64: 18>, scalar_prefetch = 0 : i64, scratch_operands = 0 : i64, tpu.core_type = #tpu.core_type<tc>, window_params = [{transform_indices = @transform_0, window_bounds = array<i64: 512, 384>}, {pipeline_mode = #tpu.pipeline_mode<synchronous>, transform_indices = @transform_1, window_bounds = array<i64: 8192, 384>}, {transform_indices = @transform_2, window_bounds = array<i64: 512, 1>}, {pipeline_mode = #tpu.pipeline_mode<synchronous>, transform_indices = @transform_3, window_bounds = array<i64: 1, 8192>}, {transform_indices = @transform_4, window_bounds = array<i64: 512>}, {pipeline_mode = #tpu.pipeline_mode<synchronous>, transform_indices = @transform_5, window_bounds = array<i64: 1, 1>}]} {
    %get3A = arith.constant 0 : index
    %get3A_0 = arith.constant 0 : index
    %get3A_1 = vector.load %arg1[%get3A, %get3A_0] : memref<512x384xbf16, #tpu.memory_space<vmem>>, vector<512x384xbf16>
    %get3A_2 = arith.constant 0 : index
    %get3A_3 = arith.constant 0 : index
    %get3A_4 = vector.load %arg3[%get3A_2, %get3A_3] : memref<512x1xf32, #tpu.memory_space<vmem>>, vector<512x1xf32>
    %get3A_5 = arith.constant 0 : index
    %get3A_6 = arith.constant 0 : index
    %get3A_7 = vector.load %arg2[%get3A_5, %get3A_6] : memref<8192x384xbf16, #tpu.memory_space<vmem>>, vector<1024x384xbf16>
    %dot_general3A = arith.constant dense<0.000000e+00> : vector<512x1024xf32>
    %dot_general3A_8 = tpu.matmul %get3A_1, %get3A_7, %dot_general3A {dimension_numbers = #tpu.dot_dimension_numbers<[1], [1], [0], [0], [0, 0, 1, 0], [], []>, transpose_lhs_hint = false} : vector<512x384xbf16>, vector<1024x384xbf16>, vector<512x1024xf32> -> vector<512x1024xf32>
    %mul3A = arith.constant 2.000000e+00 : f32
    %mul3A_9 = vector.broadcast %mul3A : f32 to vector<512x1024xf32>
    %mul3A_10 = arith.mulf %mul3A_9, %dot_general3A_8 : vector<512x1024xf32>
    %sub3A = vector.broadcast %get3A_4 : vector<512x1xf32> to vector<512x1024xf32>
    %sub3A_11 = arith.subf %sub3A, %mul3A_10 : vector<512x1024xf32>
    %get3A_12 = arith.constant 0 : index
    %get3A_13 = arith.constant 0 : index
    %get3A_14 = vector.load %arg4[%get3A_12, %get3A_13] : memref<1x8192xf32, #tpu.memory_space<vmem>>, vector<1x1024xf32>
    %add3A = vector.broadcast %get3A_14 : vector<1x1024xf32> to vector<512x1024xf32>
    %add3A_15 = arith.addf %sub3A_11, %add3A : vector<512x1024xf32>
    %reduce_min3A = arith.constant dense<0x7F800000> : vector<512xf32>
    %reduce_min3A_16 = vector.multi_reduction <minimumf>, %add3A_15, %reduce_min3A [1] : vector<512x1024xf32> to vector<512xf32>
    %broadcast_in_dim3A = vector.shape_cast %reduce_min3A_16 : vector<512xf32> to vector<512x1xf32>
    %iota3A = tpu.iota {dimensions = array<i32: 1>} : vector<512x1024xi32>
    %add3A_17 = arith.constant 0 : i32
    %add3A_18 = vector.broadcast %add3A_17 : i32 to vector<512x1024xi32>
    %add3A_19 = arith.addi %add3A_18, %iota3A : vector<512x1024xi32>
    %eq3A = vector.broadcast %broadcast_in_dim3A : vector<512x1xf32> to vector<512x1024xf32>
    %eq3A_20 = arith.cmpf oeq, %add3A_15, %eq3A : vector<512x1024xf32>
    %jit3A = arith.constant 8192 : i32
    %broadcast_in_dim3A_21 = vector.broadcast %jit3A : i32 to vector<512x1024xi32>
    %select_n3A = arith.select %eq3A_20, %add3A_19, %broadcast_in_dim3A_21 : vector<512x1024xi1>, vector<512x1024xi32>
    %reduce_min3A_22 = arith.constant dense<2147483647> : vector<512xi32>
    %reduce_min3A_23 = vector.multi_reduction <minsi>, %select_n3A, %reduce_min3A_22 [1] : vector<512x1024xi32> to vector<512xi32>
    %broadcast_in_dim3A_24 = vector.shape_cast %reduce_min3A_23 : vector<512xi32> to vector<512x1xi32>
    %get3A_25 = arith.constant 1024 : index
    %get3A_26 = arith.constant 0 : index
    %get3A_27 = vector.load %arg2[%get3A_25, %get3A_26] : memref<8192x384xbf16, #tpu.memory_space<vmem>>, vector<1024x384xbf16>
    %dot_general3A_28 = arith.constant dense<0.000000e+00> : vector<512x1024xf32>
    %dot_general3A_29 = tpu.matmul %get3A_1, %get3A_27, %dot_general3A_28 {dimension_numbers = #tpu.dot_dimension_numbers<[1], [1], [0], [0], [0, 0, 1, 0], [], []>, transpose_lhs_hint = false} : vector<512x384xbf16>, vector<1024x384xbf16>, vector<512x1024xf32> -> vector<512x1024xf32>
    %mul3A_30 = arith.constant 2.000000e+00 : f32
    %mul3A_31 = vector.broadcast %mul3A_30 : f32 to vector<512x1024xf32>
    %mul3A_32 = arith.mulf %mul3A_31, %dot_general3A_29 : vector<512x1024xf32>
    %sub3A_33 = vector.broadcast %get3A_4 : vector<512x1xf32> to vector<512x1024xf32>
    %sub3A_34 = arith.subf %sub3A_33, %mul3A_32 : vector<512x1024xf32>
    %get3A_35 = arith.constant 0 : index
    %get3A_36 = arith.constant 1024 : index
    %get3A_37 = vector.load %arg4[%get3A_35, %get3A_36] : memref<1x8192xf32, #tpu.memory_space<vmem>>, vector<1x1024xf32>
    %add3A_38 = vector.broadcast %get3A_37 : vector<1x1024xf32> to vector<512x1024xf32>
    %add3A_39 = arith.addf %sub3A_34, %add3A_38 : vector<512x1024xf32>
    %reduce_min3A_40 = arith.constant dense<0x7F800000> : vector<512xf32>
    %reduce_min3A_41 = vector.multi_reduction <minimumf>, %add3A_39, %reduce_min3A_40 [1] : vector<512x1024xf32> to vector<512xf32>
    %broadcast_in_dim3A_42 = vector.shape_cast %reduce_min3A_41 : vector<512xf32> to vector<512x1xf32>
    %iota3A_43 = tpu.iota {dimensions = array<i32: 1>} : vector<512x1024xi32>
    %add3A_44 = arith.constant 1024 : i32
    %add3A_45 = vector.broadcast %add3A_44 : i32 to vector<512x1024xi32>
    %add3A_46 = arith.addi %add3A_45, %iota3A_43 : vector<512x1024xi32>
    %eq3A_47 = vector.broadcast %broadcast_in_dim3A_42 : vector<512x1xf32> to vector<512x1024xf32>
    %eq3A_48 = arith.cmpf oeq, %add3A_39, %eq3A_47 : vector<512x1024xf32>
    %jit3A_49 = arith.constant 8192 : i32
    %broadcast_in_dim3A_50 = vector.broadcast %jit3A_49 : i32 to vector<512x1024xi32>
    %select_n3A_51 = arith.select %eq3A_48, %add3A_46, %broadcast_in_dim3A_50 : vector<512x1024xi1>, vector<512x1024xi32>
    %reduce_min3A_52 = arith.constant dense<2147483647> : vector<512xi32>
    %reduce_min3A_53 = vector.multi_reduction <minsi>, %select_n3A_51, %reduce_min3A_52 [1] : vector<512x1024xi32> to vector<512xi32>
    %broadcast_in_dim3A_54 = vector.shape_cast %reduce_min3A_53 : vector<512xi32> to vector<512x1xi32>
    %lt3A = arith.cmpf olt, %broadcast_in_dim3A_42, %broadcast_in_dim3A : vector<512x1xf32>
    %select_n3A_55 = arith.select %lt3A, %broadcast_in_dim3A_54, %broadcast_in_dim3A_24 : vector<512x1xi1>, vector<512x1xi32>
    %select_n3A_56 = arith.select %lt3A, %broadcast_in_dim3A_42, %broadcast_in_dim3A : vector<512x1xi1>, vector<512x1xf32>
    %get3A_57 = arith.constant 2048 : index
    %get3A_58 = arith.constant 0 : index
    %get3A_59 = vector.load %arg2[%get3A_57, %get3A_58] : memref<8192x384xbf16, #tpu.memory_space<vmem>>, vector<1024x384xbf16>
    %dot_general3A_60 = arith.constant dense<0.000000e+00> : vector<512x1024xf32>
    %dot_general3A_61 = tpu.matmul %get3A_1, %get3A_59, %dot_general3A_60 {dimension_numbers = #tpu.dot_dimension_numbers<[1], [1], [0], [0], [0, 0, 1, 0], [], []>, transpose_lhs_hint = false} : vector<512x384xbf16>, vector<1024x384xbf16>, vector<512x1024xf32> -> vector<512x1024xf32>
    %mul3A_62 = arith.constant 2.000000e+00 : f32
    %mul3A_63 = vector.broadcast %mul3A_62 : f32 to vector<512x1024xf32>
    %mul3A_64 = arith.mulf %mul3A_63, %dot_general3A_61 : vector<512x1024xf32>
    %sub3A_65 = vector.broadcast %get3A_4 : vector<512x1xf32> to vector<512x1024xf32>
    %sub3A_66 = arith.subf %sub3A_65, %mul3A_64 : vector<512x1024xf32>
    %get3A_67 = arith.constant 0 : index
    %get3A_68 = arith.constant 2048 : index
    %get3A_69 = vector.load %arg4[%get3A_67, %get3A_68] : memref<1x8192xf32, #tpu.memory_space<vmem>>, vector<1x1024xf32>
    %add3A_70 = vector.broadcast %get3A_69 : vector<1x1024xf32> to vector<512x1024xf32>
    %add3A_71 = arith.addf %sub3A_66, %add3A_70 : vector<512x1024xf32>
    %reduce_min3A_72 = arith.constant dense<0x7F800000> : vector<512xf32>
    %reduce_min3A_73 = vector.multi_reduction <minimumf>, %add3A_71, %reduce_min3A_72 [1] : vector<512x1024xf32> to vector<512xf32>
    %broadcast_in_dim3A_74 = vector.shape_cast %reduce_min3A_73 : vector<512xf32> to vector<512x1xf32>
    %iota3A_75 = tpu.iota {dimensions = array<i32: 1>} : vector<512x1024xi32>
    %add3A_76 = arith.constant 2048 : i32
    %add3A_77 = vector.broadcast %add3A_76 : i32 to vector<512x1024xi32>
    %add3A_78 = arith.addi %add3A_77, %iota3A_75 : vector<512x1024xi32>
    %eq3A_79 = vector.broadcast %broadcast_in_dim3A_74 : vector<512x1xf32> to vector<512x1024xf32>
    %eq3A_80 = arith.cmpf oeq, %add3A_71, %eq3A_79 : vector<512x1024xf32>
    %jit3A_81 = arith.constant 8192 : i32
    %broadcast_in_dim3A_82 = vector.broadcast %jit3A_81 : i32 to vector<512x1024xi32>
    %select_n3A_83 = arith.select %eq3A_80, %add3A_78, %broadcast_in_dim3A_82 : vector<512x1024xi1>, vector<512x1024xi32>
    %reduce_min3A_84 = arith.constant dense<2147483647> : vector<512xi32>
    %reduce_min3A_85 = vector.multi_reduction <minsi>, %select_n3A_83, %reduce_min3A_84 [1] : vector<512x1024xi32> to vector<512xi32>
    %broadcast_in_dim3A_86 = vector.shape_cast %reduce_min3A_85 : vector<512xi32> to vector<512x1xi32>
    %lt3A_87 = arith.cmpf olt, %broadcast_in_dim3A_74, %select_n3A_56 : vector<512x1xf32>
    %select_n3A_88 = arith.select %lt3A_87, %broadcast_in_dim3A_86, %select_n3A_55 : vector<512x1xi1>, vector<512x1xi32>
    %select_n3A_89 = arith.select %lt3A_87, %broadcast_in_dim3A_74, %select_n3A_56 : vector<512x1xi1>, vector<512x1xf32>
    %get3A_90 = arith.constant 3072 : index
    %get3A_91 = arith.constant 0 : index
    %get3A_92 = vector.load %arg2[%get3A_90, %get3A_91] : memref<8192x384xbf16, #tpu.memory_space<vmem>>, vector<1024x384xbf16>
    %dot_general3A_93 = arith.constant dense<0.000000e+00> : vector<512x1024xf32>
    %dot_general3A_94 = tpu.matmul %get3A_1, %get3A_92, %dot_general3A_93 {dimension_numbers = #tpu.dot_dimension_numbers<[1], [1], [0], [0], [0, 0, 1, 0], [], []>, transpose_lhs_hint = false} : vector<512x384xbf16>, vector<1024x384xbf16>, vector<512x1024xf32> -> vector<512x1024xf32>
    %mul3A_95 = arith.constant 2.000000e+00 : f32
    %mul3A_96 = vector.broadcast %mul3A_95 : f32 to vector<512x1024xf32>
    %mul3A_97 = arith.mulf %mul3A_96, %dot_general3A_94 : vector<512x1024xf32>
    %sub3A_98 = vector.broadcast %get3A_4 : vector<512x1xf32> to vector<512x1024xf32>
    %sub3A_99 = arith.subf %sub3A_98, %mul3A_97 : vector<512x1024xf32>
    %get3A_100 = arith.constant 0 : index
    %get3A_101 = arith.constant 3072 : index
    %get3A_102 = vector.load %arg4[%get3A_100, %get3A_101] : memref<1x8192xf32, #tpu.memory_space<vmem>>, vector<1x1024xf32>
    %add3A_103 = vector.broadcast %get3A_102 : vector<1x1024xf32> to vector<512x1024xf32>
    %add3A_104 = arith.addf %sub3A_99, %add3A_103 : vector<512x1024xf32>
    %reduce_min3A_105 = arith.constant dense<0x7F800000> : vector<512xf32>
    %reduce_min3A_106 = vector.multi_reduction <minimumf>, %add3A_104, %reduce_min3A_105 [1] : vector<512x1024xf32> to vector<512xf32>
    %broadcast_in_dim3A_107 = vector.shape_cast %reduce_min3A_106 : vector<512xf32> to vector<512x1xf32>
    %iota3A_108 = tpu.iota {dimensions = array<i32: 1>} : vector<512x1024xi32>
    %add3A_109 = arith.constant 3072 : i32
    %add3A_110 = vector.broadcast %add3A_109 : i32 to vector<512x1024xi32>
    %add3A_111 = arith.addi %add3A_110, %iota3A_108 : vector<512x1024xi32>
    %eq3A_112 = vector.broadcast %broadcast_in_dim3A_107 : vector<512x1xf32> to vector<512x1024xf32>
    %eq3A_113 = arith.cmpf oeq, %add3A_104, %eq3A_112 : vector<512x1024xf32>
    %jit3A_114 = arith.constant 8192 : i32
    %broadcast_in_dim3A_115 = vector.broadcast %jit3A_114 : i32 to vector<512x1024xi32>
    %select_n3A_116 = arith.select %eq3A_113, %add3A_111, %broadcast_in_dim3A_115 : vector<512x1024xi1>, vector<512x1024xi32>
    %reduce_min3A_117 = arith.constant dense<2147483647> : vector<512xi32>
    %reduce_min3A_118 = vector.multi_reduction <minsi>, %select_n3A_116, %reduce_min3A_117 [1] : vector<512x1024xi32> to vector<512xi32>
    %broadcast_in_dim3A_119 = vector.shape_cast %reduce_min3A_118 : vector<512xi32> to vector<512x1xi32>
    %lt3A_120 = arith.cmpf olt, %broadcast_in_dim3A_107, %select_n3A_89 : vector<512x1xf32>
    %select_n3A_121 = arith.select %lt3A_120, %broadcast_in_dim3A_119, %select_n3A_88 : vector<512x1xi1>, vector<512x1xi32>
    %select_n3A_122 = arith.select %lt3A_120, %broadcast_in_dim3A_107, %select_n3A_89 : vector<512x1xi1>, vector<512x1xf32>
    %get3A_123 = arith.constant 4096 : index
    %get3A_124 = arith.constant 0 : index
    %get3A_125 = vector.load %arg2[%get3A_123, %get3A_124] : memref<8192x384xbf16, #tpu.memory_space<vmem>>, vector<1024x384xbf16>
    %dot_general3A_126 = arith.constant dense<0.000000e+00> : vector<512x1024xf32>
    %dot_general3A_127 = tpu.matmul %get3A_1, %get3A_125, %dot_general3A_126 {dimension_numbers = #tpu.dot_dimension_numbers<[1], [1], [0], [0], [0, 0, 1, 0], [], []>, transpose_lhs_hint = false} : vector<512x384xbf16>, vector<1024x384xbf16>, vector<512x1024xf32> -> vector<512x1024xf32>
    %mul3A_128 = arith.constant 2.000000e+00 : f32
    %mul3A_129 = vector.broadcast %mul3A_128 : f32 to vector<512x1024xf32>
    %mul3A_130 = arith.mulf %mul3A_129, %dot_general3A_127 : vector<512x1024xf32>
    %sub3A_131 = vector.broadcast %get3A_4 : vector<512x1xf32> to vector<512x1024xf32>
    %sub3A_132 = arith.subf %sub3A_131, %mul3A_130 : vector<512x1024xf32>
    %get3A_133 = arith.constant 0 : index
    %get3A_134 = arith.constant 4096 : index
    %get3A_135 = vector.load %arg4[%get3A_133, %get3A_134] : memref<1x8192xf32, #tpu.memory_space<vmem>>, vector<1x1024xf32>
    %add3A_136 = vector.broadcast %get3A_135 : vector<1x1024xf32> to vector<512x1024xf32>
    %add3A_137 = arith.addf %sub3A_132, %add3A_136 : vector<512x1024xf32>
    %reduce_min3A_138 = arith.constant dense<0x7F800000> : vector<512xf32>
    %reduce_min3A_139 = vector.multi_reduction <minimumf>, %add3A_137, %reduce_min3A_138 [1] : vector<512x1024xf32> to vector<512xf32>
    %broadcast_in_dim3A_140 = vector.shape_cast %reduce_min3A_139 : vector<512xf32> to vector<512x1xf32>
    %iota3A_141 = tpu.iota {dimensions = array<i32: 1>} : vector<512x1024xi32>
    %add3A_142 = arith.constant 4096 : i32
    %add3A_143 = vector.broadcast %add3A_142 : i32 to vector<512x1024xi32>
    %add3A_144 = arith.addi %add3A_143, %iota3A_141 : vector<512x1024xi32>
    %eq3A_145 = vector.broadcast %broadcast_in_dim3A_140 : vector<512x1xf32> to vector<512x1024xf32>
    %eq3A_146 = arith.cmpf oeq, %add3A_137, %eq3A_145 : vector<512x1024xf32>
    %jit3A_147 = arith.constant 8192 : i32
    %broadcast_in_dim3A_148 = vector.broadcast %jit3A_147 : i32 to vector<512x1024xi32>
    %select_n3A_149 = arith.select %eq3A_146, %add3A_144, %broadcast_in_dim3A_148 : vector<512x1024xi1>, vector<512x1024xi32>
    %reduce_min3A_150 = arith.constant dense<2147483647> : vector<512xi32>
    %reduce_min3A_151 = vector.multi_reduction <minsi>, %select_n3A_149, %reduce_min3A_150 [1] : vector<512x1024xi32> to vector<512xi32>
    %broadcast_in_dim3A_152 = vector.shape_cast %reduce_min3A_151 : vector<512xi32> to vector<512x1xi32>
    %lt3A_153 = arith.cmpf olt, %broadcast_in_dim3A_140, %select_n3A_122 : vector<512x1xf32>
    %select_n3A_154 = arith.select %lt3A_153, %broadcast_in_dim3A_152, %select_n3A_121 : vector<512x1xi1>, vector<512x1xi32>
    %select_n3A_155 = arith.select %lt3A_153, %broadcast_in_dim3A_140, %select_n3A_122 : vector<512x1xi1>, vector<512x1xf32>
    %get3A_156 = arith.constant 5120 : index
    %get3A_157 = arith.constant 0 : index
    %get3A_158 = vector.load %arg2[%get3A_156, %get3A_157] : memref<8192x384xbf16, #tpu.memory_space<vmem>>, vector<1024x384xbf16>
    %dot_general3A_159 = arith.constant dense<0.000000e+00> : vector<512x1024xf32>
    %dot_general3A_160 = tpu.matmul %get3A_1, %get3A_158, %dot_general3A_159 {dimension_numbers = #tpu.dot_dimension_numbers<[1], [1], [0], [0], [0, 0, 1, 0], [], []>, transpose_lhs_hint = false} : vector<512x384xbf16>, vector<1024x384xbf16>, vector<512x1024xf32> -> vector<512x1024xf32>
    %mul3A_161 = arith.constant 2.000000e+00 : f32
    %mul3A_162 = vector.broadcast %mul3A_161 : f32 to vector<512x1024xf32>
    %mul3A_163 = arith.mulf %mul3A_162, %dot_general3A_160 : vector<512x1024xf32>
    %sub3A_164 = vector.broadcast %get3A_4 : vector<512x1xf32> to vector<512x1024xf32>
    %sub3A_165 = arith.subf %sub3A_164, %mul3A_163 : vector<512x1024xf32>
    %get3A_166 = arith.constant 0 : index
    %get3A_167 = arith.constant 5120 : index
    %get3A_168 = vector.load %arg4[%get3A_166, %get3A_167] : memref<1x8192xf32, #tpu.memory_space<vmem>>, vector<1x1024xf32>
    %add3A_169 = vector.broadcast %get3A_168 : vector<1x1024xf32> to vector<512x1024xf32>
    %add3A_170 = arith.addf %sub3A_165, %add3A_169 : vector<512x1024xf32>
    %reduce_min3A_171 = arith.constant dense<0x7F800000> : vector<512xf32>
    %reduce_min3A_172 = vector.multi_reduction <minimumf>, %add3A_170, %reduce_min3A_171 [1] : vector<512x1024xf32> to vector<512xf32>
    %broadcast_in_dim3A_173 = vector.shape_cast %reduce_min3A_172 : vector<512xf32> to vector<512x1xf32>
    %iota3A_174 = tpu.iota {dimensions = array<i32: 1>} : vector<512x1024xi32>
    %add3A_175 = arith.constant 5120 : i32
    %add3A_176 = vector.broadcast %add3A_175 : i32 to vector<512x1024xi32>
    %add3A_177 = arith.addi %add3A_176, %iota3A_174 : vector<512x1024xi32>
    %eq3A_178 = vector.broadcast %broadcast_in_dim3A_173 : vector<512x1xf32> to vector<512x1024xf32>
    %eq3A_179 = arith.cmpf oeq, %add3A_170, %eq3A_178 : vector<512x1024xf32>
    %jit3A_180 = arith.constant 8192 : i32
    %broadcast_in_dim3A_181 = vector.broadcast %jit3A_180 : i32 to vector<512x1024xi32>
    %select_n3A_182 = arith.select %eq3A_179, %add3A_177, %broadcast_in_dim3A_181 : vector<512x1024xi1>, vector<512x1024xi32>
    %reduce_min3A_183 = arith.constant dense<2147483647> : vector<512xi32>
    %reduce_min3A_184 = vector.multi_reduction <minsi>, %select_n3A_182, %reduce_min3A_183 [1] : vector<512x1024xi32> to vector<512xi32>
    %broadcast_in_dim3A_185 = vector.shape_cast %reduce_min3A_184 : vector<512xi32> to vector<512x1xi32>
    %lt3A_186 = arith.cmpf olt, %broadcast_in_dim3A_173, %select_n3A_155 : vector<512x1xf32>
    %select_n3A_187 = arith.select %lt3A_186, %broadcast_in_dim3A_185, %select_n3A_154 : vector<512x1xi1>, vector<512x1xi32>
    %select_n3A_188 = arith.select %lt3A_186, %broadcast_in_dim3A_173, %select_n3A_155 : vector<512x1xi1>, vector<512x1xf32>
    %get3A_189 = arith.constant 6144 : index
    %get3A_190 = arith.constant 0 : index
    %get3A_191 = vector.load %arg2[%get3A_189, %get3A_190] : memref<8192x384xbf16, #tpu.memory_space<vmem>>, vector<1024x384xbf16>
    %dot_general3A_192 = arith.constant dense<0.000000e+00> : vector<512x1024xf32>
    %dot_general3A_193 = tpu.matmul %get3A_1, %get3A_191, %dot_general3A_192 {dimension_numbers = #tpu.dot_dimension_numbers<[1], [1], [0], [0], [0, 0, 1, 0], [], []>, transpose_lhs_hint = false} : vector<512x384xbf16>, vector<1024x384xbf16>, vector<512x1024xf32> -> vector<512x1024xf32>
    %mul3A_194 = arith.constant 2.000000e+00 : f32
    %mul3A_195 = vector.broadcast %mul3A_194 : f32 to vector<512x1024xf32>
    %mul3A_196 = arith.mulf %mul3A_195, %dot_general3A_193 : vector<512x1024xf32>
    %sub3A_197 = vector.broadcast %get3A_4 : vector<512x1xf32> to vector<512x1024xf32>
    %sub3A_198 = arith.subf %sub3A_197, %mul3A_196 : vector<512x1024xf32>
    %get3A_199 = arith.constant 0 : index
    %get3A_200 = arith.constant 6144 : index
    %get3A_201 = vector.load %arg4[%get3A_199, %get3A_200] : memref<1x8192xf32, #tpu.memory_space<vmem>>, vector<1x1024xf32>
    %add3A_202 = vector.broadcast %get3A_201 : vector<1x1024xf32> to vector<512x1024xf32>
    %add3A_203 = arith.addf %sub3A_198, %add3A_202 : vector<512x1024xf32>
    %reduce_min3A_204 = arith.constant dense<0x7F800000> : vector<512xf32>
    %reduce_min3A_205 = vector.multi_reduction <minimumf>, %add3A_203, %reduce_min3A_204 [1] : vector<512x1024xf32> to vector<512xf32>
    %broadcast_in_dim3A_206 = vector.shape_cast %reduce_min3A_205 : vector<512xf32> to vector<512x1xf32>
    %iota3A_207 = tpu.iota {dimensions = array<i32: 1>} : vector<512x1024xi32>
    %add3A_208 = arith.constant 6144 : i32
    %add3A_209 = vector.broadcast %add3A_208 : i32 to vector<512x1024xi32>
    %add3A_210 = arith.addi %add3A_209, %iota3A_207 : vector<512x1024xi32>
    %eq3A_211 = vector.broadcast %broadcast_in_dim3A_206 : vector<512x1xf32> to vector<512x1024xf32>
    %eq3A_212 = arith.cmpf oeq, %add3A_203, %eq3A_211 : vector<512x1024xf32>
    %jit3A_213 = arith.constant 8192 : i32
    %broadcast_in_dim3A_214 = vector.broadcast %jit3A_213 : i32 to vector<512x1024xi32>
    %select_n3A_215 = arith.select %eq3A_212, %add3A_210, %broadcast_in_dim3A_214 : vector<512x1024xi1>, vector<512x1024xi32>
    %reduce_min3A_216 = arith.constant dense<2147483647> : vector<512xi32>
    %reduce_min3A_217 = vector.multi_reduction <minsi>, %select_n3A_215, %reduce_min3A_216 [1] : vector<512x1024xi32> to vector<512xi32>
    %broadcast_in_dim3A_218 = vector.shape_cast %reduce_min3A_217 : vector<512xi32> to vector<512x1xi32>
    %lt3A_219 = arith.cmpf olt, %broadcast_in_dim3A_206, %select_n3A_188 : vector<512x1xf32>
    %select_n3A_220 = arith.select %lt3A_219, %broadcast_in_dim3A_218, %select_n3A_187 : vector<512x1xi1>, vector<512x1xi32>
    %select_n3A_221 = arith.select %lt3A_219, %broadcast_in_dim3A_206, %select_n3A_188 : vector<512x1xi1>, vector<512x1xf32>
    %get3A_222 = arith.constant 7168 : index
    %get3A_223 = arith.constant 0 : index
    %get3A_224 = vector.load %arg2[%get3A_222, %get3A_223] : memref<8192x384xbf16, #tpu.memory_space<vmem>>, vector<1024x384xbf16>
    %dot_general3A_225 = arith.constant dense<0.000000e+00> : vector<512x1024xf32>
    %dot_general3A_226 = tpu.matmul %get3A_1, %get3A_224, %dot_general3A_225 {dimension_numbers = #tpu.dot_dimension_numbers<[1], [1], [0], [0], [0, 0, 1, 0], [], []>, transpose_lhs_hint = false} : vector<512x384xbf16>, vector<1024x384xbf16>, vector<512x1024xf32> -> vector<512x1024xf32>
    %mul3A_227 = arith.constant 2.000000e+00 : f32
    %mul3A_228 = vector.broadcast %mul3A_227 : f32 to vector<512x1024xf32>
    %mul3A_229 = arith.mulf %mul3A_228, %dot_general3A_226 : vector<512x1024xf32>
    %sub3A_230 = vector.broadcast %get3A_4 : vector<512x1xf32> to vector<512x1024xf32>
    %sub3A_231 = arith.subf %sub3A_230, %mul3A_229 : vector<512x1024xf32>
    %get3A_232 = arith.constant 0 : index
    %get3A_233 = arith.constant 7168 : index
    %get3A_234 = vector.load %arg4[%get3A_232, %get3A_233] : memref<1x8192xf32, #tpu.memory_space<vmem>>, vector<1x1024xf32>
    %add3A_235 = vector.broadcast %get3A_234 : vector<1x1024xf32> to vector<512x1024xf32>
    %add3A_236 = arith.addf %sub3A_231, %add3A_235 : vector<512x1024xf32>
    %reduce_min3A_237 = arith.constant dense<0x7F800000> : vector<512xf32>
    %reduce_min3A_238 = vector.multi_reduction <minimumf>, %add3A_236, %reduce_min3A_237 [1] : vector<512x1024xf32> to vector<512xf32>
    %broadcast_in_dim3A_239 = vector.shape_cast %reduce_min3A_238 : vector<512xf32> to vector<512x1xf32>
    %iota3A_240 = tpu.iota {dimensions = array<i32: 1>} : vector<512x1024xi32>
    %add3A_241 = arith.constant 7168 : i32
    %add3A_242 = vector.broadcast %add3A_241 : i32 to vector<512x1024xi32>
    %add3A_243 = arith.addi %add3A_242, %iota3A_240 : vector<512x1024xi32>
    %eq3A_244 = vector.broadcast %broadcast_in_dim3A_239 : vector<512x1xf32> to vector<512x1024xf32>
    %eq3A_245 = arith.cmpf oeq, %add3A_236, %eq3A_244 : vector<512x1024xf32>
    %jit3A_246 = arith.constant 8192 : i32
    %broadcast_in_dim3A_247 = vector.broadcast %jit3A_246 : i32 to vector<512x1024xi32>
    %select_n3A_248 = arith.select %eq3A_245, %add3A_243, %broadcast_in_dim3A_247 : vector<512x1024xi1>, vector<512x1024xi32>
    %reduce_min3A_249 = arith.constant dense<2147483647> : vector<512xi32>
    %reduce_min3A_250 = vector.multi_reduction <minsi>, %select_n3A_248, %reduce_min3A_249 [1] : vector<512x1024xi32> to vector<512xi32>
    %broadcast_in_dim3A_251 = vector.shape_cast %reduce_min3A_250 : vector<512xi32> to vector<512x1xi32>
    %lt3A_252 = arith.cmpf olt, %broadcast_in_dim3A_239, %select_n3A_221 : vector<512x1xf32>
    %select_n3A_253 = arith.select %lt3A_252, %broadcast_in_dim3A_251, %select_n3A_220 : vector<512x1xi1>, vector<512x1xi32>
    %select_n3A_254 = arith.select %lt3A_252, %broadcast_in_dim3A_239, %select_n3A_221 : vector<512x1xi1>, vector<512x1xf32>
    %squeeze3A = vector.shape_cast %select_n3A_253 : vector<512x1xi32> to vector<512xi32>
    %swap3A = arith.constant 0 : index
    %swap3A_255 = vector.load %arg5[%swap3A] : memref<512xi32, #tpu.memory_space<vmem>>, vector<512xi32>
    tpu.vector_store %arg5[%swap3A], %squeeze3A {strides = array<i32>} : memref<512xi32, #tpu.memory_space<vmem>>, vector<512xi32>,
    %reduce_sum3A = vector.shape_cast %select_n3A_254 : vector<512x1xf32> to vector<1x512x1xf32>
    %reduce_sum3A_256 = arith.constant dense<0.000000e+00> : vector<1xf32>
    %reduce_sum3A_257 = vector.multi_reduction <add>, %reduce_sum3A, %reduce_sum3A_256 [1, 2] : vector<1x512x1xf32> to vector<1xf32>
    %reduce_sum3A_258 = vector.shape_cast %reduce_sum3A_257 : vector<1xf32> to vector<1x1x1xf32>
    %reduce_sum3A_259 = vector.extract %reduce_sum3A_258[0, 0, 0] : f32 from vector<1x1x1xf32>
    %reshape3A = vector.broadcast %reduce_sum3A_259 : f32 to vector<1x1xf32>
    %eq3A_260 = arith.constant 0 : i32
    %eq3A_261 = arith.cmpi eq, %arg0, %eq3A_260 : i32
    %convert_element_type3A = arith.extui %eq3A_261 : i1 to i32
    %cond3A = arith.constant 0 : i32
    %cond3A_262 = arith.cmpi ne, %convert_element_type3A, %cond3A : i32
    scf.if %cond3A_262 {
      %swap3A_267 = arith.constant 0 : index
      %swap3A_268 = arith.constant 0 : index
      %swap3A_269 = vector.load %arg6[%swap3A_267, %swap3A_268] : memref<1x1xf32, #tpu.memory_space<vmem>>, vector<1x1xf32>
      tpu.vector_store %arg6[%swap3A_267, %swap3A_268], %reshape3A {strides = array<i32>} : memref<1x1xf32, #tpu.memory_space<vmem>>, vector<1x1xf32>,
    } else {
    }
    %gt3A = arith.constant 0 : i32
    %gt3A_263 = arith.cmpi sgt, %arg0, %gt3A : i32
    %convert_element_type3A_264 = arith.extui %gt3A_263 : i1 to i32
    %cond3A_265 = arith.constant 0 : i32
    %cond3A_266 = arith.cmpi ne, %convert_element_type3A_264, %cond3A_265 : i32
    scf.if %cond3A_266 {
      %get3A_267 = arith.constant 0 : index
      %get3A_268 = arith.constant 0 : index
      %get3A_269 = vector.load %arg6[%get3A_267, %get3A_268] : memref<1x1xf32, #tpu.memory_space<vmem>>, vector<1x1xf32>
      %add3A_270 = arith.addf %get3A_269, %reshape3A : vector<1x1xf32>
      %swap3A_271 = arith.constant 0 : index
      %swap3A_272 = arith.constant 0 : index
      %swap3A_273 = vector.load %arg6[%swap3A_271, %swap3A_272] : memref<1x1xf32, #tpu.memory_space<vmem>>, vector<1x1xf32>
      tpu.vector_store %arg6[%swap3A_271, %swap3A_272], %add3A_270 {strides = array<i32>} : memref<1x1xf32, #tpu.memory_space<vmem>>, vector<1x1xf32>,
    } else {
    }
    return
  }
  func.func @transform_0(%arg0: i32) -> (i32, i32) {
    %c0_i32 = arith.constant 0 : i32
    %c0_i32_0 = arith.constant 0 : i32
    return %arg0, %c0_i32 : i32, i32
  }
  func.func @transform_1(%arg0: i32) -> (i32, i32) {
    %c0_i32 = arith.constant 0 : i32
    %c0_i32_0 = arith.constant 0 : i32
    %c0_i32_1 = arith.constant 0 : i32
    return %c0_i32, %c0_i32_0 : i32, i32
  }
  func.func @transform_2(%arg0: i32) -> (i32, i32) {
    %c0_i32 = arith.constant 0 : i32
    %c0_i32_0 = arith.constant 0 : i32
    return %arg0, %c0_i32 : i32, i32
  }
  func.func @transform_3(%arg0: i32) -> (i32, i32) {
    %c0_i32 = arith.constant 0 : i32
    %c0_i32_0 = arith.constant 0 : i32
    %c0_i32_1 = arith.constant 0 : i32
    return %c0_i32, %c0_i32_0 : i32, i32
  }
  func.func @transform_4(%arg0: i32) -> i32 {
    %c0_i32 = arith.constant 0 : i32
    return %arg0 : i32
  }
  func.func @transform_5(%arg0: i32) -> (i32, i32) {
    %c0_i32 = arith.constant 0 : i32
    %c0_i32_0 = arith.constant 0 : i32
    %c0_i32_1 = arith.constant 0 : i32
    return %c0_i32, %c0_i32_0 : i32, i32
  }
}

</mosaic_0001>

<sc_bundles>
// kernel: kernel.6.cloned.1.call-start
scs
__scs_entry_jumppad:
0x0: {  	(pc) =	sbr.rel $0x88, $3  }
0x1: {  	(tag) =	ssettag $0x0;
	lr =	simm.s32 $0x1  }
0x2: {  	[smem:$0x3F9B] =	sst lr;
	_ =	strace $0xD0000000  }
0x3: {  	_ = 	snop  }
0x4: {  	_ = 	snop  }
0x5: {  	_ = 	snop  }
0x6: {  	_ = 	snop  }
0x7: {  	_ = 	snop  }
__scs_overlays_trampoline_lowered:
0x8: {  	[smem:$0x3FAA] =	sst s0  }
0x9: {  	[smem:$0x3FAB] =	sst s1  }
0xa: {  	[smem:$0x3FAC] =	sst s2  }
0xb: {  	[smem:$0x3FAD] =	sst s3  }
0xc: {  	[smem:$0x3FAE] =	sst s4  }
0xd: {  	[smem:$0x3FAF] =	sst s5  }
0xe: {  	[smem:$0x3FB0] =	sst s6  }
0xf: {  	[smem:$0x3FB1] =	sst s7  }
0x10: {  	[smem:$0x3FB2] =	sst s8  }
0x11: {  	[smem:$0x3FB3] =	sst s9;
	s0 =	simm.s32 @!p0 $0x0  }
0x12: {  	s1 =	sld [smem:$0x3F99];
	s0 =	simm.s32 @p0 $0x1  }
0x13: {  	[smem:$0x3FB4] =	sst s0;
	s0 =	simm.s32 @!p1 $0x0  }
0x14: {  	s2 =	sld [smem:$0x3F98];
	s0 =	simm.s32 @p1 $0x1  }
0x15: {  	[smem:$0x3FB5] =	sst s0;
	s0 =	simm.s32 @!p2 $0x0  }
0x16: {  	s3 =	sld [smem:$0x3FDB];
	s0 =	simm.s32 @p2 $0x1  }
0x17: {  	s4 =	simm.s32 $0x1BF5;
	[smem:$0x3FB7] =	sst s0  }
0x18: {  	s0 =	sld [smem:$0x3F9A];
	_ =	swait.ge [sflag:s4], $0x0  }
0x19: {  	s7 =	sld [smem:$0x3F9B]  }
0x1a: {  	s8 =	sadd.s32 $0xFFFFE003, lr  }
0x1b: {  	s9 =	sadd.s32 $0xFFFFFEF7, lr;
	s5 =	simm.s32 $0xFFFFFFFF;
	p2 =	slt.u32 s8, $0xFFFFF086  }
0x1c: {  	p1 =	slt.u32 s9, $0xF7A;
	s5 =	simm.s32 @!p2 $0x0  }
0x1d: {  	s5 =	simm.s32 @p1 $0x1;
	p0 =	seq.s32 s7, s2  }
0x1e: {  	s7 =	smul.u32 @!p0 $0xF7A, s2;
	p2 =	seq.s32 @!p0 s5, $0x0  }
0x1f: {  	s9 =	smul.u32 $0xF7A, s1;
	s8 =	simm.s32 @!p0 $0x1BF5;
	p2 =	por !p2, p0  }
0x20: {  	[sflag:s8] =	ssyncset.s32 @!p0 $0xFFFFF086;
	s6 =	sadd.s32 @!p0 s3, s7;
	s7 =	simm.s32 @!p0 $0x108  }
0x21: {  	s3 =	sadd.s32 s3, s9;
	s6 =	sadd.s32 @!p0 $0x88, s6;
	s7 =	simm.s32 @p2 $0x1082  }
0x22: {  	[simem:s7], [sflag:s8] =	dma.local @!p0 [hbm:s6], $0xF7A  }
0x23: {  	s9 =	sor.u32 $0xD0000000, s2;
	s6 =	simm.s32 $0x108;
	_ =	swait.ge @!p0 [sflag:s8], $0x0  }
0x24: {  	s3 =	sadd.s32 $0x88, s3;
	s6 =	simm.s32 @!p1 $0x1082;
	[sflag:s4] =	ssyncset.s32 $0xFFFFF086  }
0x25: {  	[simem:s6], [sflag:s4] =	dma.local [hbm:s3], $0xF7A  }
0x26: {  	[smem:$0x3F9B] =	sst s1;
	(tag) =	ssettag s2;
	_ =	strace s9  }
0x27: {  	s1 =	sld [smem:$0x3FAB]  }
0x28: {  	s2 =	sld [smem:$0x3FAC]  }
0x29: {  	s4 =	sld [smem:$0x3FAE]  }
0x2a: {  	p0 =	seq.s32 s5, $0x0;
	s5 =	sld [smem:$0x3FAF]  }
0x2b: {  	s6 =	sld [smem:$0x3FB0]  }
0x2c: {  	s7 =	sld [smem:$0x3FB1]  }
0x2d: {  	s3 =	simm.s32 $0x108;
	s8 =	sld [smem:$0x3FB2]  }
0x2e: {  	s3 =	simm.s32 @!p0 $0x1082;
	s9 =	sld [smem:$0x3FB3]  }
0x2f: {  	lr =	sadd.s32 s0, s3;
	s0 =	sld [smem:$0x3FAA]  }
0x30: {  	s3 =	sld [smem:$0x3FAD]  }
0x31: {  	[smem:$0x3FB6] =	sst s10  }
0x32: {  	s10 =	sld [smem:$0x3FB4];
	_ =	sdelay $0x3  }
0x33: {  	p0 =	seq.s32 s10, $0x1;
	s10 =	sld [smem:$0x3FB6];
	_ =	sdelay $0x3  }
0x34: {  	[smem:$0x3FB6] =	sst s10  }
0x35: {  	s10 =	sld [smem:$0x3FB5];
	_ =	sdelay $0x3  }
0x36: {  	p1 =	seq.s32 s10, $0x1;
	s10 =	sld [smem:$0x3FB6];
	_ =	sdelay $0x3  }
0x37: {  	[smem:$0x3FB6] =	sst s10  }
0x38: {  	s10 =	sld [smem:$0x3FB7]  }
0x39: {  	_ = 	snop;
	(pc) =	sbr.ind lr, $3  }
0x3a: {  	_ = 	snop  }
0x3b: {  	_ = 	snop  }
0x3c: {  	p2 =	seq.s32 s10, $0x1;
	s10 =	sld [smem:$0x3FB6]  }
0x3d: {  	_ =	shalt  }
0x3e: {  	_ =	shalt  }
0x3f: {  	_ =	shalt  }
0x40: {  	_ =	shalt  }
0x41: {  	_ =	shalt  }
0x42: {  	_ =	shalt  }
0x43: {  	_ =	shalt  }
0x44: {  	_ =	shalt  }
0x45: {  	_ =	shalt  }
0x46: {  	_ =	shalt  }
0x47: {  	_ =	shalt  }
0x48: {  	_ =	shalt  }
0x49: {  	_ =	shalt  }
0x4a: {  	_ =	shalt  }
0x4b: {  	_ =	shalt  }
0x4c: {  	_ =	shalt  }
0x4d: {  	_ =	shalt  }
0x4e: {  	_ =	shalt  }
0x4f: {  	_ =	shalt  }
0x50: {  	_ =	shalt  }
0x51: {  	_ =	shalt  }
0x52: {  	_ =	shalt  }
0x53: {  	_ =	shalt  }
0x54: {  	_ =	shalt  }
0x55: {  	_ =	shalt  }
0x56: {  	_ =	shalt  }
0x57: {  	_ =	shalt  }
0x58: {  	_ =	shalt  }
0x59: {  	_ =	shalt  }
0x5a: {  	_ =	shalt  }
0x5b: {  	_ =	shalt  }
0x5c: {  	_ =	shalt  }
0x5d: {  	_ =	shalt  }
0x5e: {  	_ =	shalt  }
0x5f: {  	_ =	shalt  }
0x60: {  	_ =	shalt  }
0x61: {  	_ =	shalt  }
0x62: {  	_ =	shalt  }
0x63: {  	_ =	shalt  }
0x64: {  	_ =	shalt  }
0x65: {  	_ =	shalt  }
0x66: {  	_ =	shalt  }
0x67: {  	_ =	shalt  }
0x68: {  	_ =	shalt  }
0x69: {  	_ =	shalt  }
0x6a: {  	_ =	shalt  }
0x6b: {  	_ =	shalt  }
0x6c: {  	_ =	shalt  }
0x6d: {  	_ =	shalt  }
0x6e: {  	_ =	shalt  }
0x6f: {  	_ =	shalt  }
0x70: {  	_ =	shalt  }
0x71: {  	_ =	shalt  }
0x72: {  	_ =	shalt  }
0x73: {  	_ =	shalt  }
0x74: {  	_ =	shalt  }
0x75: {  	_ =	shalt  }
0x76: {  	_ =	shalt  }
0x77: {  	_ =	shalt  }
0x78: {  	_ =	shalt  }
0x79: {  	_ =	shalt  }
0x7a: {  	_ =	shalt  }
0x7b: {  	_ =	shalt  }
0x7c: {  	_ =	shalt  }
0x7d: {  	_ =	shalt  }
0x7e: {  	_ =	shalt  }
0x7f: {  	_ =	shalt  }
0x80: {  	_ =	shalt  }
0x81: {  	_ =	shalt  }
0x82: {  	_ =	shalt  }
0x83: {  	_ =	shalt  }
0x84: {  	_ =	shalt  }
0x85: {  	_ =	shalt  }
0x86: {  	_ =	shalt  }
0x87: {  	_ =	shalt  }
.Lfunc_end0:
.L_simem_size_0:
called_computation_lowered:
.L_overlay_start_0:
0x88: {  	s2 =	sld [smem:$0x3FD9]  }
0x89: {  	s3 =	sld [smem:$0x3FFE];
	_ =	sdelay $0x1  }
0x8a: {  	s1 =	srdreg.scid  }
0x8b: {  	s0 =	sand.u32 $0x1, s1  }
0x8c: {  	s14 =	sshll.u32 s0, $0xA;
	s2 =	sadd.s32 s3, s2  }
0x8d: {  	s2 =	sadd.s32 s2, s14  }
0x8e: {  	[smem:$0x3FC2] =	sst s2  }
0x8f: {  	_ = 	snop  }
0x90: {  	s2 =	sld [smem:$0x3FD0];
	_ =	sdelay $0x2  }
0x91: {  	s15 =	simm.s32 $0xA;
	s4 =	simm.s32 $0x10  }
0x92: {  	[smem:s4], [sflag:s15] =	dma.local [hbm:s2], $0x1  }
0x93: {  	_ =	swait.eq [sflag:s15], $0x1  }
0x94: {  	[sflag:s15] =	ssyncset.done $0x0  }
0x95: {  	[sflag:s15] =	ssyncadd.s32 $0xFFFFFFFF  }
0x96: {  	s16 =	sld [smem:$0x10];
	(tm) =	ssettm $0x1  }
0x97: {  	s17 =	sld [smem:$0x3FFB];
	_ =	sdelay $0x3  }
0x98: {  	_ =	strace s17  }
0x99: {  	s3 =	sld [smem:$0x3FFC];
	_ =	sdelay $0x3  }
0x9a: {  	_ =	strace s3  }
0x9b: {  	s3 =	sld [smem:$0x3FFD];
	_ =	sdelay $0x3  }
0x9c: {  	_ =	strace s3  }
0x9d: {  	_ =	strace $0x8FFFFFFF  }
0x9e: {  	s18 =	sld [smem:$0x3FDB];
	_ =	sdelay $0x1  }
0x9f: {  	s19 =	simm.s32 $_scs_section_size  }
0xa0: {  	s5 =	simm.s32 $_size__tile_overlayer_lowered;
	s6 =	simm.s32 $_tile_overlayer_lowered  }
0xa1: {  	s22 =	simm.s32 $0x1BFF;
	s21 =	sshll.u32 s6, $0x1;
	s3 =	sadd.s32 s19, s18  }
0xa2: {  	s7 =	simm.s32 $0x0;
	s20 =	sshll.u32 s5, $0x1;
	s5 =	sadd.s32 s21, s3  }
0xa3: {  	[timem:s7], [sflag:s22] =	dma.local [hbm:s5], s20  }
0xa4: {  	_ =	swait.ge [sflag:s22], s20  }
0xa5: {  	s4 =	ssub.s32 $0x0, s20;
	[sflag:s22] =	ssyncset.done $0x0  }
0xa6: {  	[sflag:s22] =	ssyncadd.s32 s4;
	_ =	sdelay $0x1  }
0xa7: {  	s23 =	simm.s32 $0x1B8B  }
0xa8: {  	_ =	swait.ge [sflag:s23], $0x1  }
0xa9: {  	[sflag:s23] =	ssyncset.done $0x0  }
0xaa: {  	s25 =	simm.s32 $0x1B8E;
	s24 =	sld [smem:$0x3FFE];
	[sflag:s23] =	ssyncadd.s32 $0xFFFFFFFF  }
0xab: {  	s26 =	simm.s32 $execute0_lowered;
	[smem:$0x3FD2] =	sst s25  }
0xac: {  	s5 =	sshll.u32 s26, $0x1;
	_ =	strace $0x80000046;
	[dreg:$0x1] =	wrdreg $0xFFFFFFFF  }
0xad: {  	s28 =	simm.s32 $_size_execute0_lowered;
	s3 =	sadd.s32 s3, s5;
	[dreg:$0x0] =	wrdreg $0x0  }
0xae: {  	s5 =	sshll.u32 s28, $0x1;
	[dreg:$0x2] =	wrdreg s3  }
0xaf: {  	[dreg:$0x3] =	wrdreg s5  }
0xb0: {  	[dreg:$0x4] =	wrdreg $0xC0  }
0xb1: {  	_ =	task [dreg:s7], $0x5FFFF  }
0xb2: {  	[dreg:$0x1] =	wrdreg $0xFFFFFFFF  }
0xb3: {  	[dreg:$0x0] =	wrdreg $0x60  }
0xb4: {  	[dreg:$0x2] =	wrdreg s24  }
0xb5: {  	[dreg:$0x3] =	wrdreg s16  }
0xb6: {  	[dreg:$0x4] =	wrdreg $0x9  }
0xb7: {  	_ =	task.clear_ibuf [dreg:s7], $0x5FFFF;
	_ =	strace $0x90000046  }
0xb8: {  	s29 =	simm.s32 $0x9;
	_ =	strace $0x80000048  }
0xb9: {  	_ =	swait.ge [sflag:s29], $0x1  }
0xba: {  	[sflag:s29] =	ssyncadd.s32 $0xFFFFFFFF  }
0xbb: {  	_ =	strace $0x90000048  }
0xbc: {  	_ =	sfence  }
0xbd: {  	s30 =	sld [smem:$0x0];
	_ =	sdelay $0x2  }
0xbe: {  	s31 =	sshll.u32 s1, $0xD;
	s1 =	sshrl.u32 s1, $0x2  }
0xbf: {  	s3 =	sand.u32 $0x4000, s31;
	s1 =	sadd.s32 s1, s30  }
0xc0: {  	s0 =	sor.u32 s3, s0;
	s1 =	sshll.u32 s1, $0x11  }
0xc1: {  	s0 =	sor.u32 s1, s0  }
0xc2: {  	s0 =	sadd.s32 $0x8F2B, s0  }
0xc3: {  	[sflag:s0] =	ssyncadd.remote.s32 $0x1  }
0xc4: {  	_ =	sfence.sel $0xFFFF  }
0xc5: {  	[dreg:$0x0] =	wrdreg $0xFFFFFFFF;
	(pc) =	sbr.abs _section_cstart, $3  }
0xc6: {  	[dreg:$0x1] =	wrdreg $0xFFFFFFFF  }
0xc7: {  	_ =	task.clear_ibuf [dreg:s7], $0x2FFFF;
	_ =	strace $0x9FFFFFFF  }
0xc8: {  	(tm) =	ssettm $0x7FFFFFFF  }
0xc9: {  	_ =	shalt  }
tec
execute0_lowered:
.L_overlay_start_1:
0x0: {  	(tag) =	ssettag $0x1  }
0x1: {  	s1 =	srdreg.scid;
	s0 =	stileid.u32  }
0x2: {  	s5 =	rddreg [dreg:$0x1];
	s4 =	sand.u32 $0x1, s1;
	s2 =	sshll.u32 s0, $0x1  }
0x3: {  	s1 =	rddreg [dreg:$0x0];
	s3 =	sor.u32 s4, s2;
	s2 =	simm.s32 $0x0  }
0x4: {  	s24 =	simm.s32 $0x980;
	[smem:$0x7FF] =	sst s2  }
0x5: {  	s25 =	simm.s32 $0xD80;
	_ =	strace $0x80000047;
	[dreg:$0x5] =	wrdreg s24  }
0x6: {  	s26 =	simm.s32 $0x1580;
	[dreg:$0x6] =	wrdreg s25  }
0x7: {  	s0 =	simm.s32 $0x1980;
	[dreg:$0x7] =	wrdreg s26  }
0x8: {  	s7 =	simm.s32 $0x2D80;
	[dreg:$0x8] =	wrdreg s0  }
0x9: {  	s8 =	simm.s32 $0x3180;
	[dreg:$0xb] =	wrdreg s7  }
0xa: {  	s9 =	simm.s32 $0x3980;
	[dreg:$0xc] =	wrdreg s8  }
0xb: {  	s10 =	simm.s32 $0x3D80;
	[dreg:$0xd] =	wrdreg s9  }
0xc: {  	s11 =	simm.s32 $0x4580;
	[dreg:$0xe] =	wrdreg s10  }
0xd: {  	s12 =	simm.s32 $0x4980;
	[dreg:$0xf] =	wrdreg s11  }
0xe: {  	s13 =	simm.s32 $0x5180;
	[dreg:$0x10] =	wrdreg s12  }
0xf: {  	s14 =	simm.s32 $0x5580;
	[dreg:$0x11] =	wrdreg s13  }
0x10: {  	s15 =	simm.s32 $0x5D80;
	[dreg:$0x12] =	wrdreg s14  }
0x11: {  	s16 =	simm.s32 $0x6180;
	[dreg:$0x13] =	wrdreg s15  }
0x12: {  	s17 =	simm.s32 $0x6980;
	[dreg:$0x14] =	wrdreg s16  }
0x13: {  	s18 =	simm.s32 $0x6D80;
	[dreg:$0x15] =	wrdreg s17  }
0x14: {  	s19 =	simm.s32 $0x7580;
	[dreg:$0x16] =	wrdreg s18  }
0x15: {  	s20 =	simm.s32 $0x7980;
	[dreg:$0x17] =	wrdreg s19  }
0x16: {  	s21 =	simm.s32 $0x8180;
	[dreg:$0x18] =	wrdreg s20  }
0x17: {  	s22 =	simm.s32 $0x8580;
	[dreg:$0x19] =	wrdreg s21  }
0x18: {  	s23 =	simm.s32 $0x8D80;
	[dreg:$0x1a] =	wrdreg s22  }
0x19: {  	[dreg:$0x1b] =	wrdreg s23;
	s24 =	simm.s32 $0x9180  }
0x1a: {  	s25 =	simm.s32 $0x9980;
	[dreg:$0x1c] =	wrdreg s24  }
0x1b: {  	s26 =	simm.s32 $0x9D80;
	[dreg:$0x1d] =	wrdreg s25  }
0x1c: {  	s0 =	simm.s32 $0xA580;
	[dreg:$0x1e] =	wrdreg s26  }
0x1d: {  	s7 =	simm.s32 $0xB580;
	[dreg:$0x1f] =	wrdreg s0  }
0x1e: {  	s8 =	simm.s32 $0xBD80;
	[smem:$0x7EB] =	sst s7  }
0x1f: {  	s9 =	simm.s32 $0xC180;
	[smem:$0x7EC] =	sst s8  }
0x20: {  	s10 =	simm.s32 $0xC980;
	[smem:$0x7ED] =	sst s9  }
0x21: {  	s11 =	simm.s32 $0xCD80;
	[smem:$0x7EE] =	sst s10  }
0x22: {  	s28 =	simm.s32 $0x19980;
	s12 =	simm.s32 $0xD580;
	[smem:$0x7EF] =	sst s11  }
0x23: {  	s29 =	simm.s32 $0x1A180;
	s13 =	simm.s32 $0xD980;
	[smem:$0x7F0] =	sst s12  }
0x24: {  	s30 =	simm.s32 $0x1A580;
	s14 =	simm.s32 $0xE180;
	[smem:$0x7F1] =	sst s13  }
0x25: {  	s31 =	simm.s32 $0x1AD80;
	s15 =	simm.s32 $0xE580;
	[smem:$0x7F2] =	sst s14  }
0x26: {  	s4 =	ssub.s32 $0x2, s4;
	s16 =	simm.s32 $0xED80;
	[smem:$0x7F3] =	sst s15  }
0x27: {  	s6 =	smul.u32 $0x24, s3;
	s17 =	simm.s32 $0xF180;
	[smem:$0x7F4] =	sst s16  }
0x28: {  	s3 =	smul.u32 $0x3600, s3;
	s18 =	simm.s32 $0xF980;
	[smem:$0x7F5] =	sst s17  }
0x29: {  	s19 =	simm.s32 $0xFD80;
	s20 =	simm.s32 $0x10580;
	[smem:$0x7F6] =	sst s18  }
0x2a: {  	s21 =	simm.s32 $0x10980;
	s22 =	sshrl.u32 s4, $0x1;
	[smem:$0x7F7] =	sst s19  }
0x2b: {  	s23 =	simm.s32 $0x11180;
	s6 =	sadd.s32 s6, s1;
	[smem:$0x7F8] =	sst s20  }
0x2c: {  	s3 =	sadd.s32 s5, s3;
	s5 =	simm.s32 $0x2180;
	[smem:$0x7F9] =	sst s21  }
0x2d: {  	[smem:$0x7FA] =	sst s23;
	s24 =	simm.s32 $0x11580;
	s25 =	simm.s32 $0x11D80  }
0x2e: {  	s26 =	simm.s32 $0x12180;
	s7 =	simm.s32 $0x180;
	s9 =	simm.s32 $0x12D80  }
0x2f: {  	s10 =	simm.s32 $0x13580;
	s11 =	simm.s32 $0x13980;
	s12 =	simm.s32 $0x14180  }
0x30: {  	s13 =	simm.s32 $0x14580;
	s14 =	simm.s32 $0x14D80;
	[dreg:$0x4] =	wrdreg s3  }
0x31: {  	s15 =	simm.s32 $0x15180;
	s16 =	simm.s32 $0x15980;
	[dreg:$0x9] =	wrdreg s5  }
0x32: {  	s17 =	simm.s32 $0x15D80;
	s18 =	simm.s32 $0x16580;
	[smem:$0x7FB] =	sst s24  }
0x33: {  	s19 =	simm.s32 $0x16980;
	s20 =	simm.s32 $0x17180;
	[smem:$0x7FC] =	sst s25  }
0x34: {  	s21 =	simm.s32 $0x17580;
	s6 =	sadd.s32 $0x60E00, s6;
	[smem:$0x7FD] =	sst s26  }
0x35: {  	s23 =	simm.s32 $0x18180;
	s5 =	simm.s32 $0xA980;
	[dreg:$0x3] =	wrdreg s6  }
0x36: {  	s3 =	sadd.s32 $0xE00, s1;
	s6 =	simm.s32 $0x2580;
	[smem:$0x7E9] =	sst s5  }
0x37: {  	s24 =	simm.s32 $0x18980;
	[dreg:$0xa] =	wrdreg s6;
	s6 =	simm.s32 $0xB180  }
0x38: {  	v2 =	vlaneseq.u32;
	s25 =	simm.s32 $0x18D80;
	s26 =	simm.s32 $0x19580;
	[smem:$0x7EA] =	sst s6  }
0x39: {  	vm0 =	vmmov $0xffff;
	vm1 =	vmmov $0xff;
	v1 =	vshrl.u32 v2, $0x3;
	s6 =	ssub.s32 s4, s22;
	s4 =	sadd.s32 $0xF00, s1;
	s22 =	simm.s32 $0x17D80  }
0x3a: {  	v0 =	vand.u32 $0x7, v2;
	v2 =	vor.u32 $0x8, v2;
	v1 =	vmul.u32 $0x8, v1;
	s1 =	simm.s32 $0x1;
	s5 =	smax.u32 s6, $0x1;
	s6 =	simm.s32 $0x2  }
.LBB2_1:
0x3b: {  	s0 =	rddreg [dreg:$0x3]  }
0x3c: {  	[tilespmem:s2], [sflag:$0x2] =	stream.linear.gather [hbm4b:s0+s2], $0x120, $0x38;
	[tilespmem:$0x1B180] =	vst v63  }
0x3d: {  	_ =	swait.ge [sflag:s6], $0x120  }
0x3e: {  	[sflag:s6] =	ssyncset.done $0x0  }
0x3f: {  	[sflag:s6] =	ssyncadd.s32 $0xFFFFFEE0  }
0x40: {  	v3 =	vld [tilespmem:$0x0];
	_ =	sdelay $0x4  }
0x41: {  	v4 =	vshrl.u32 v3, $0x3  }
0x42: {  	v4 =	vmul.u32 $0x18, v4  }
0x43: {  	v3 =	vand.u32 $0x7, v3  }
0x44: {  	v3 =	vor.u32 v3, v4  }
0x45: {  	v4 =	vperm.xlane v3, v0;
	_ =	sdelay $0x1  }
0x46: {  	v4 =	vadd.s32 v1, v4;
	_ =	sdelay $0x1  }
0x47: {  	v3 =	vperm.xlane v3, v2;
	_ =	sdelay $0x1  }
0x48: {  	v3 =	vadd.s32 v1, v3  }
0x49: {  	[tilespmem:s7], [sflag:$0x1] =	stream.indirect_vreg.gather [hbm4b:s3+s2], $0x80, v4, vm0, $0xb8;
	[tilespmem:$0x1B180] =	vst v63  }
0x4a: {  	s0 =	rddreg [dreg:$0x5]  }
0x4b: {  	[tilespmem:s0], [sflag:$0x1] =	stream.indirect_vreg.gather [hbm4b:s4+s2], $0x80, v4, vm1, $0xb8;
	[tilespmem:$0x1B180] =	vst v63  }
0x4c: {  	s8 =	rddreg [dreg:$0x6]  }
0x4d: {  	[tilespmem:s8], [sflag:$0x1] =	stream.indirect_vreg.gather [hbm4b:s3+s2], $0x80, v3, vm0, $0xb8;
	[tilespmem:$0x1B180] =	vst v63  }
0x4e: {  	s0 =	rddreg [dreg:$0x7]  }
0x4f: {  	[tilespmem:s0], [sflag:$0x1] =	stream.indirect_vreg.gather [hbm4b:s4+s2], $0x80, v3, vm1, $0xb8;
	[tilespmem:$0x1B180] =	vst v63  }
0x50: {  	v3 =	vld [tilespmem:$0x10];
	_ =	sdelay $0x4  }
0x51: {  	v47 =	vshrl.u32 v3, $0x3  }
0x52: {  	v4 =	vmul.u32 $0x18, v47  }
0x53: {  	v3 =	vand.u32 $0x7, v3  }
0x54: {  	v3 =	vor.u32 v3, v4  }
0x55: {  	v4 =	vperm.xlane v3, v0;
	_ =	sdelay $0x1  }
0x56: {  	v4 =	vadd.s32 v1, v4;
	_ =	sdelay $0x1  }
0x57: {  	v3 =	vperm.xlane v3, v2;
	_ =	sdelay $0x1  }
0x58: {  	s0 =	rddreg [dreg:$0x8];
	v3 =	vadd.s32 v1, v3  }
0x59: {  	[tilespmem:s0], [sflag:$0x1] =	stream.indirect_vreg.gather [hbm4b:s3+s2], $0x80, v4, vm0, $0xb8;
	[tilespmem:$0x1B180] =	vst v63  }
0x5a: {  	s8 =	rddreg [dreg:$0x9]  }
0x5b: {  	[tilespmem:s8], [sflag:$0x1] =	stream.indirect_vreg.gather [hbm4b:s4+s2], $0x80, v4, vm1, $0xb8;
	[tilespmem:$0x1B180] =	vst v63  }
0x5c: {  	s0 =	rddreg [dreg:$0xa]  }
0x5d: {  	[tilespmem:s0], [sflag:$0x1] =	stream.indirect_vreg.gather [hbm4b:s3+s2], $0x80, v3, vm0, $0xb8;
	[tilespmem:$0x1B180] =	vst v63  }
0x5e: {  	s8 =	rddreg [dreg:$0xb]  }
0x5f: {  	[tilespmem:s8], [sflag:$0x1] =	stream.indirect_vreg.gather [hbm4b:s4+s2], $0x80, v3, vm1, $0xb8;
	[tilespmem:$0x1B180] =	vst v63  }
0x60: {  	v3 =	vld [tilespmem:$0x20];
	_ =	sdelay $0x4  }
0x61: {  	v48 =	vshrl.u32 v3, $0x3  }
0x62: {  	v4 =	vmul.u32 $0x18, v48  }
0x63: {  	v3 =	vand.u32 $0x7, v3  }
0x64: {  	v3 =	vor.u32 v3, v4  }
0x65: {  	v4 =	vperm.xlane v3, v0;
	_ =	sdelay $0x1  }
0x66: {  	v4 =	vadd.s32 v1, v4;
	_ =	sdelay $0x1  }
0x67: {  	v3 =	vperm.xlane v3, v2;
	_ =	sdelay $0x1  }
0x68: {  	s0 =	rddreg [dreg:$0xc];
	v3 =	vadd.s32 v1, v3  }
0x69: {  	[tilespmem:s0], [sflag:$0x1] =	stream.indirect_vreg.gather [hbm4b:s3+s2], $0x80, v4, vm0, $0xb8;
	[tilespmem:$0x1B180] =	vst v63  }
0x6a: {  	s8 =	rddreg [dreg:$0xd]  }
0x6b: {  	[tilespmem:s8], [sflag:$0x1] =	stream.indirect_vreg.gather [hbm4b:s4+s2], $0x80, v4, vm1, $0xb8;
	[tilespmem:$0x1B180] =	vst v63  }
0x6c: {  	s0 =	rddreg [dreg:$0xe]  }
0x6d: {  	[tilespmem:s0], [sflag:$0x1] =	stream.indirect_vreg.gather [hbm4b:s3+s2], $0x80, v3, vm0, $0xb8;
	[tilespmem:$0x1B180] =	vst v63  }
0x6e: {  	s8 =	rddreg [dreg:$0xf]  }
0x6f: {  	[tilespmem:s8], [sflag:$0x1] =	stream.indirect_vreg.gather [hbm4b:s4+s2], $0x80, v3, vm1, $0xb8;
	[tilespmem:$0x1B180] =	vst v63  }
0x70: {  	v3 =	vld [tilespmem:$0x30];
	_ =	sdelay $0x4  }
0x71: {  	v49 =	vshrl.u32 v3, $0x3  }
0x72: {  	v4 =	vmul.u32 $0x18, v49  }
0x73: {  	v3 =	vand.u32 $0x7, v3  }
0x74: {  	v3 =	vor.u32 v3, v4  }
0x75: {  	v4 =	vperm.xlane v3, v0;
	_ =	sdelay $0x1  }
0x76: {  	v4 =	vadd.s32 v1, v4;
	_ =	sdelay $0x1  }
0x77: {  	v3 =	vperm.xlane v3, v2;
	_ =	sdelay $0x1  }
0x78: {  	s0 =	rddreg [dreg:$0x10];
	v3 =	vadd.s32 v1, v3  }
0x79: {  	[tilespmem:s0], [sflag:$0x1] =	stream.indirect_vreg.gather [hbm4b:s3+s2], $0x80, v4, vm0, $0xb8;
	[tilespmem:$0x1B180] =	vst v63  }
0x7a: {  	s8 =	rddreg [dreg:$0x11]  }
0x7b: {  	[tilespmem:s8], [sflag:$0x1] =	stream.indirect_vreg.gather [hbm4b:s4+s2], $0x80, v4, vm1, $0xb8;
	[tilespmem:$0x1B180] =	vst v63  }
0x7c: {  	s0 =	rddreg [dreg:$0x12]  }
0x7d: {  	[tilespmem:s0], [sflag:$0x1] =	stream.indirect_vreg.gather [hbm4b:s3+s2], $0x80, v3, vm0, $0xb8;
	[tilespmem:$0x1B180] =	vst v63  }
0x7e: {  	s8 =	rddreg [dreg:$0x13]  }
0x7f: {  	[tilespmem:s8], [sflag:$0x1] =	stream.indirect_vreg.gather [hbm4b:s4+s2], $0x80, v3, vm1, $0xb8;
	[tilespmem:$0x1B180] =	vst v63  }
0x80: {  	v3 =	vld [tilespmem:$0x40];
	_ =	sdelay $0x4  }
0x81: {  	v50 =	vshrl.u32 v3, $0x3  }
0x82: {  	v4 =	vmul.u32 $0x18, v50  }
0x83: {  	v3 =	vand.u32 $0x7, v3  }
0x84: {  	v3 =	vor.u32 v3, v4  }
0x85: {  	v4 =	vperm.xlane v3, v0;
	_ =	sdelay $0x1  }
0x86: {  	v4 =	vadd.s32 v1, v4;
	_ =	sdelay $0x1  }
0x87: {  	v3 =	vperm.xlane v3, v2;
	_ =	sdelay $0x1  }
0x88: {  	s0 =	rddreg [dreg:$0x14];
	v3 =	vadd.s32 v1, v3  }
0x89: {  	[tilespmem:s0], [sflag:$0x1] =	stream.indirect_vreg.gather [hbm4b:s3+s2], $0x80, v4, vm0, $0xb8;
	[tilespmem:$0x1B180] =	vst v63  }
0x8a: {  	s8 =	rddreg [dreg:$0x15]  }
0x8b: {  	[tilespmem:s8], [sflag:$0x1] =	stream.indirect_vreg.gather [hbm4b:s4+s2], $0x80, v4, vm1, $0xb8;
	[tilespmem:$0x1B180] =	vst v63  }
0x8c: {  	s0 =	rddreg [dreg:$0x16]  }
0x8d: {  	[tilespmem:s0], [sflag:$0x1] =	stream.indirect_vreg.gather [hbm4b:s3+s2], $0x80, v3, vm0, $0xb8;
	[tilespmem:$0x1B180] =	vst v63  }
0x8e: {  	s8 =	rddreg [dreg:$0x17]  }
0x8f: {  	[tilespmem:s8], [sflag:$0x1] =	stream.indirect_vreg.gather [hbm4b:s4+s2], $0x80, v3, vm1, $0xb8;
	[tilespmem:$0x1B180] =	vst v63  }
0x90: {  	v3 =	vld [tilespmem:$0x50];
	_ =	sdelay $0x4  }
0x91: {  	v51 =	vshrl.u32 v3, $0x3  }
0x92: {  	v4 =	vmul.u32 $0x18, v51  }
0x93: {  	v3 =	vand.u32 $0x7, v3  }
0x94: {  	v3 =	vor.u32 v3, v4  }
0x95: {  	v4 =	vperm.xlane v3, v0;
	_ =	sdelay $0x1  }
0x96: {  	v4 =	vadd.s32 v1, v4;
	_ =	sdelay $0x1  }
0x97: {  	v3 =	vperm.xlane v3, v2;
	_ =	sdelay $0x1  }
0x98: {  	s0 =	rddreg [dreg:$0x18];
	v3 =	vadd.s32 v1, v3  }
0x99: {  	[tilespmem:s0], [sflag:$0x1] =	stream.indirect_vreg.gather [hbm4b:s3+s2], $0x80, v4, vm0, $0xb8;
	[tilespmem:$0x1B180] =	vst v63  }
0x9a: {  	s8 =	rddreg [dreg:$0x19]  }
0x9b: {  	[tilespmem:s8], [sflag:$0x1] =	stream.indirect_vreg.gather [hbm4b:s4+s2], $0x80, v4, vm1, $0xb8;
	[tilespmem:$0x1B180] =	vst v63  }
0x9c: {  	s0 =	rddreg [dreg:$0x1a]  }
0x9d: {  	[tilespmem:s0], [sflag:$0x1] =	stream.indirect_vreg.gather [hbm4b:s3+s2], $0x80, v3, vm0, $0xb8;
	[tilespmem:$0x1B180] =	vst v63  }
0x9e: {  	s8 =	rddreg [dreg:$0x1b]  }
0x9f: {  	[tilespmem:s8], [sflag:$0x1] =	stream.indirect_vreg.gather [hbm4b:s4+s2], $0x80, v3, vm1, $0xb8;
	[tilespmem:$0x1B180] =	vst v63  }
0xa0: {  	v3 =	vld [tilespmem:$0x60];
	_ =	sdelay $0x4  }
0xa1: {  	v52 =	vshrl.u32 v3, $0x3  }
0xa2: {  	v4 =	vmul.u32 $0x18, v52  }
0xa3: {  	v3 =	vand.u32 $0x7, v3  }
0xa4: {  	v3 =	vor.u32 v3, v4  }
0xa5: {  	v4 =	vperm.xlane v3, v0;
	_ =	sdelay $0x1  }
0xa6: {  	v4 =	vadd.s32 v1, v4;
	_ =	sdelay $0x1  }
0xa7: {  	v3 =	vperm.xlane v3, v2;
	_ =	sdelay $0x1  }
0xa8: {  	s0 =	rddreg [dreg:$0x1c];
	v3 =	vadd.s32 v1, v3  }
0xa9: {  	[tilespmem:s0], [sflag:$0x1] =	stream.indirect_vreg.gather [hbm4b:s3+s2], $0x80, v4, vm0, $0xb8;
	[tilespmem:$0x1B180] =	vst v63  }
0xaa: {  	s8 =	rddreg [dreg:$0x1d]  }
0xab: {  	[tilespmem:s8], [sflag:$0x1] =	stream.indirect_vreg.gather [hbm4b:s4+s2], $0x80, v4, vm1, $0xb8;
	[tilespmem:$0x1B180] =	vst v63  }
0xac: {  	s0 =	rddreg [dreg:$0x1e]  }
0xad: {  	[tilespmem:s0], [sflag:$0x1] =	stream.indirect_vreg.gather [hbm4b:s3+s2], $0x80, v3, vm0, $0xb8;
	[tilespmem:$0x1B180] =	vst v63  }
0xae: {  	s8 =	rddreg [dreg:$0x1f]  }
0xaf: {  	[tilespmem:s8], [sflag:$0x1] =	stream.indirect_vreg.gather [hbm4b:s4+s2], $0x80, v3, vm1, $0xb8;
	[tilespmem:$0x1B180] =	vst v63  }
0xb0: {  	v3 =	vld [tilespmem:$0x70];
	_ =	sdelay $0x4  }
0xb1: {  	v53 =	vshrl.u32 v3, $0x3  }
0xb2: {  	v4 =	vmul.u32 $0x18, v53  }
0xb3: {  	v3 =	vand.u32 $0x7, v3  }
0xb4: {  	v3 =	vor.u32 v3, v4  }
0xb5: {  	v4 =	vperm.xlane v3, v0;
	_ =	sdelay $0x1  }
0xb6: {  	v4 =	vadd.s32 v1, v4;
	_ =	sdelay $0x1  }
0xb7: {  	s0 =	sld [smem:$0x7E9];
	v3 =	vperm.xlane v3, v2;
	_ =	sdelay $0x1  }
0xb8: {  	s8 =	sld [smem:$0x7EA];
	v3 =	vadd.s32 v1, v3  }
0xb9: {  	[tilespmem:s0], [sflag:$0x1] =	stream.indirect_vreg.gather [hbm4b:s3+s2], $0x80, v4, vm0, $0xb8;
	[tilespmem:$0x1B180] =	vst v63  }
0xba: {  	s0 =	sld [smem:$0x7EB]  }
0xbb: {  	[tilespmem:s8], [sflag:$0x1] =	stream.indirect_vreg.gather [hbm4b:s4+s2], $0x80, v4, vm1, $0xb8;
	[tilespmem:$0x1B180] =	vst v63  }
0xbc: {  	s8 =	sld [smem:$0x7EC]  }
0xbd: {  	[tilespmem:s0], [sflag:$0x1] =	stream.indirect_vreg.gather [hbm4b:s3+s2], $0x80, v3, vm0, $0xb8;
	[tilespmem:$0x1B180] =	vst v63  }
0xbe: {  	_ = 	snop  }
0xbf: {  	[tilespmem:s8], [sflag:$0x1] =	stream.indirect_vreg.gather [hbm4b:s4+s2], $0x80, v3, vm1, $0xb8;
	[tilespmem:$0x1B180] =	vst v63  }
0xc0: {  	v3 =	vld [tilespmem:$0x80];
	_ =	sdelay $0x4  }
0xc1: {  	v54 =	vshrl.u32 v3, $0x3  }
0xc2: {  	v4 =	vmul.u32 $0x18, v54  }
0xc3: {  	v3 =	vand.u32 $0x7, v3  }
0xc4: {  	v3 =	vor.u32 v3, v4  }
0xc5: {  	v4 =	vperm.xlane v3, v0;
	_ =	sdelay $0x1  }
0xc6: {  	v4 =	vadd.s32 v1, v4;
	_ =	sdelay $0x1  }
0xc7: {  	s0 =	sld [smem:$0x7ED];
	v3 =	vperm.xlane v3, v2;
	_ =	sdelay $0x1  }
0xc8: {  	s8 =	sld [smem:$0x7EE];
	v3 =	vadd.s32 v1, v3  }
0xc9: {  	[tilespmem:s0], [sflag:$0x1] =	stream.indirect_vreg.gather [hbm4b:s3+s2], $0x80, v4, vm0, $0xb8;
	[tilespmem:$0x1B180] =	vst v63  }
0xca: {  	s0 =	sld [smem:$0x7EF]  }
0xcb: {  	[tilespmem:s8], [sflag:$0x1] =	stream.indirect_vreg.gather [hbm4b:s4+s2], $0x80, v4, vm1, $0xb8;
	[tilespmem:$0x1B180] =	vst v63  }
0xcc: {  	s8 =	sld [smem:$0x7F0]  }
0xcd: {  	[tilespmem:s0], [sflag:$0x1] =	stream.indirect_vreg.gather [hbm4b:s3+s2], $0x80, v3, vm0, $0xb8;
	[tilespmem:$0x1B180] =	vst v63  }
0xce: {  	_ = 	snop  }
0xcf: {  	[tilespmem:s8], [sflag:$0x1] =	stream.indirect_vreg.gather [hbm4b:s4+s2], $0x80, v3, vm1, $0xb8;
	[tilespmem:$0x1B180] =	vst v63  }
0xd0: {  	v3 =	vld [tilespmem:$0x90];
	_ =	sdelay $0x4  }
0xd1: {  	v55 =	vshrl.u32 v3, $0x3  }
0xd2: {  	v4 =	vmul.u32 $0x18, v55  }
0xd3: {  	v3 =	vand.u32 $0x7, v3  }
0xd4: {  	v3 =	vor.u32 v3, v4  }
0xd5: {  	v4 =	vperm.xlane v3, v0;
	_ =	sdelay $0x1  }
0xd6: {  	v4 =	vadd.s32 v1, v4;
	_ =	sdelay $0x1  }
0xd7: {  	s0 =	sld [smem:$0x7F1];
	v3 =	vperm.xlane v3, v2;
	_ =	sdelay $0x1  }
0xd8: {  	s8 =	sld [smem:$0x7F2];
	v3 =	vadd.s32 v1, v3  }
0xd9: {  	[tilespmem:s0], [sflag:$0x1] =	stream.indirect_vreg.gather [hbm4b:s3+s2], $0x80, v4, vm0, $0xb8;
	[tilespmem:$0x1B180] =	vst v63  }
0xda: {  	s0 =	sld [smem:$0x7F3]  }
0xdb: {  	[tilespmem:s8], [sflag:$0x1] =	stream.indirect_vreg.gather [hbm4b:s4+s2], $0x80, v4, vm1, $0xb8;
	[tilespmem:$0x1B180] =	vst v63  }
0xdc: {  	s8 =	sld [smem:$0x7F4]  }
0xdd: {  	[tilespmem:s0], [sflag:$0x1] =	stream.indirect_vreg.gather [hbm4b:s3+s2], $0x80, v3, vm0, $0xb8;
	[tilespmem:$0x1B180] =	vst v63  }
0xde: {  	_ = 	snop  }
0xdf: {  	[tilespmem:s8], [sflag:$0x1] =	stream.indirect_vreg.gather [hbm4b:s4+s2], $0x80, v3, vm1, $0xb8;
	[tilespmem:$0x1B180] =	vst v63  }
0xe0: {  	v3 =	vld [tilespmem:$0xA0];
	_ =	sdelay $0x4  }
0xe1: {  	v56 =	vshrl.u32 v3, $0x3  }
0xe2: {  	v4 =	vmul.u32 $0x18, v56  }
0xe3: {  	v3 =	vand.u32 $0x7, v3  }
0xe4: {  	v3 =	vor.u32 v3, v4  }
0xe5: {  	v4 =	vperm.xlane v3, v0;
	_ =	sdelay $0x1  }
0xe6: {  	v4 =	vadd.s32 v1, v4;
	_ =	sdelay $0x1  }
0xe7: {  	s0 =	sld [smem:$0x7F5];
	v3 =	vperm.xlane v3, v2;
	_ =	sdelay $0x1  }
0xe8: {  	s8 =	sld [smem:$0x7F6];
	v3 =	vadd.s32 v1, v3  }
0xe9: {  	[tilespmem:s0], [sflag:$0x1] =	stream.indirect_vreg.gather [hbm4b:s3+s2], $0x80, v4, vm0, $0xb8;
	[tilespmem:$0x1B180] =	vst v63  }
0xea: {  	s0 =	sld [smem:$0x7F7]  }
0xeb: {  	[tilespmem:s8], [sflag:$0x1] =	stream.indirect_vreg.gather [hbm4b:s4+s2], $0x80, v4, vm1, $0xb8;
	[tilespmem:$0x1B180] =	vst v63  }
0xec: {  	s8 =	sld [smem:$0x7F8]  }
0xed: {  	[tilespmem:s0], [sflag:$0x1] =	stream.indirect_vreg.gather [hbm4b:s3+s2], $0x80, v3, vm0, $0xb8;
	[tilespmem:$0x1B180] =	vst v63  }
0xee: {  	_ = 	snop  }
0xef: {  	[tilespmem:s8], [sflag:$0x1] =	stream.indirect_vreg.gather [hbm4b:s4+s2], $0x80, v3, vm1, $0xb8;
	[tilespmem:$0x1B180] =	vst v63  }
0xf0: {  	v3 =	vld [tilespmem:$0xB0];
	_ =	sdelay $0x4  }
0xf1: {  	v57 =	vshrl.u32 v3, $0x3  }
0xf2: {  	v4 =	vmul.u32 $0x18, v57  }
0xf3: {  	v3 =	vand.u32 $0x7, v3  }
0xf4: {  	v3 =	vor.u32 v3, v4  }
0xf5: {  	v4 =	vperm.xlane v3, v0;
	_ =	sdelay $0x1  }
0xf6: {  	v4 =	vadd.s32 v1, v4;
	_ =	sdelay $0x1  }
0xf7: {  	s0 =	sld [smem:$0x7F9];
	v3 =	vperm.xlane v3, v2;
	_ =	sdelay $0x1  }
0xf8: {  	s8 =	sld [smem:$0x7FA];
	v3 =	vadd.s32 v1, v3  }
0xf9: {  	[tilespmem:s0], [sflag:$0x1] =	stream.indirect_vreg.gather [hbm4b:s3+s2], $0x80, v4, vm0, $0xb8;
	[tilespmem:$0x1B180] =	vst v63  }
0xfa: {  	s0 =	sld [smem:$0x7FB]  }
0xfb: {  	[tilespmem:s8], [sflag:$0x1] =	stream.indirect_vreg.gather [hbm4b:s4+s2], $0x80, v4, vm1, $0xb8;
	[tilespmem:$0x1B180] =	vst v63  }
0xfc: {  	s8 =	sld [smem:$0x7FC]  }
0xfd: {  	[tilespmem:s0], [sflag:$0x1] =	stream.indirect_vreg.gather [hbm4b:s3+s2], $0x80, v3, vm0, $0xb8;
	[tilespmem:$0x1B180] =	vst v63  }
0xfe: {  	_ = 	snop  }
0xff: {  	[tilespmem:s8], [sflag:$0x1] =	stream.indirect_vreg.gather [hbm4b:s4+s2], $0x80, v3, vm1, $0xb8;
	[tilespmem:$0x1B180] =	vst v63  }
0x100: {  	v3 =	vld [tilespmem:$0xC0];
	_ =	sdelay $0x4  }
0x101: {  	v58 =	vshrl.u32 v3, $0x3  }
0x102: {  	v4 =	vmul.u32 $0x18, v58  }
0x103: {  	v3 =	vand.u32 $0x7, v3  }
0x104: {  	v3 =	vor.u32 v3, v4  }
0x105: {  	v4 =	vperm.xlane v3, v0;
	_ =	sdelay $0x1  }
0x106: {  	v4 =	vadd.s32 v1, v4;
	_ =	sdelay $0x1  }
0x107: {  	s8 =	sld [smem:$0x7FD];
	v3 =	vperm.xlane v3, v2;
	_ =	sdelay $0x1  }
0x108: {  	v3 =	vadd.s32 v1, v3  }
0x109: {  	[tilespmem:s8], [sflag:$0x1] =	stream.indirect_vreg.gather [hbm4b:s3+s2], $0x80, v4, vm0, $0xb8;
	[tilespmem:$0x1B180] =	vst v63  }
0x10a: {  	s8 =	simm.s32 $0x12980  }
0x10b: {  	[tilespmem:s8], [sflag:$0x1] =	stream.indirect_vreg.gather [hbm4b:s4+s2], $0x80, v4, vm1, $0xb8;
	[tilespmem:$0x1B180] =	vst v63  }
0x10c: {  	_ = 	snop  }
0x10d: {  	[tilespmem:s9], [sflag:$0x1] =	stream.indirect_vreg.gather [hbm4b:s3+s2], $0x80, v3, vm0, $0xb8;
	[tilespmem:$0x1B180] =	vst v63  }
0x10e: {  	_ = 	snop  }
0x10f: {  	[tilespmem:s10], [sflag:$0x1] =	stream.indirect_vreg.gather [hbm4b:s4+s2], $0x80, v3, vm1, $0xb8;
	[tilespmem:$0x1B180] =	vst v63  }
0x110: {  	v3 =	vld [tilespmem:$0xD0];
	_ =	sdelay $0x4  }
0x111: {  	v59 =	vshrl.u32 v3, $0x3  }
0x112: {  	v4 =	vmul.u32 $0x18, v59  }
0x113: {  	v3 =	vand.u32 $0x7, v3  }
0x114: {  	v3 =	vor.u32 v3, v4  }
0x115: {  	v4 =	vperm.xlane v3, v0;
	_ =	sdelay $0x1  }
0x116: {  	v4 =	vadd.s32 v1, v4;
	_ =	sdelay $0x1  }
0x117: {  	v3 =	vperm.xlane v3, v2;
	_ =	sdelay $0x1  }
0x118: {  	v3 =	vadd.s32 v1, v3  }
0x119: {  	[tilespmem:s11], [sflag:$0x1] =	stream.indirect_vreg.gather [hbm4b:s3+s2], $0x80, v4, vm0, $0xb8;
	[tilespmem:$0x1B180] =	vst v63  }
0x11a: {  	_ = 	snop  }
0x11b: {  	[tilespmem:s12], [sflag:$0x1] =	stream.indirect_vreg.gather [hbm4b:s4+s2], $0x80, v4, vm1, $0xb8;
	[tilespmem:$0x1B180] =	vst v63  }
0x11c: {  	_ = 	snop  }
0x11d: {  	[tilespmem:s13], [sflag:$0x1] =	stream.indirect_vreg.gather [hbm4b:s3+s2], $0x80, v3, vm0, $0xb8;
	[tilespmem:$0x1B180] =	vst v63  }
0x11e: {  	_ = 	snop  }
0x11f: {  	[tilespmem:s14], [sflag:$0x1] =	stream.indirect_vreg.gather [hbm4b:s4+s2], $0x80, v3, vm1, $0xb8;
	[tilespmem:$0x1B180] =	vst v63  }
0x120: {  	v3 =	vld [tilespmem:$0xE0];
	_ =	sdelay $0x4  }
0x121: {  	v60 =	vshrl.u32 v3, $0x3  }
0x122: {  	v4 =	vmul.u32 $0x18, v60  }
0x123: {  	v3 =	vand.u32 $0x7, v3  }
0x124: {  	v3 =	vor.u32 v3, v4  }
0x125: {  	v4 =	vperm.xlane v3, v0;
	_ =	sdelay $0x1  }
0x126: {  	v4 =	vadd.s32 v1, v4;
	_ =	sdelay $0x1  }
0x127: {  	v3 =	vperm.xlane v3, v2;
	_ =	sdelay $0x1  }
0x128: {  	v3 =	vadd.s32 v1, v3  }
0x129: {  	[tilespmem:s15], [sflag:$0x1] =	stream.indirect_vreg.gather [hbm4b:s3+s2], $0x80, v4, vm0, $0xb8;
	[tilespmem:$0x1B180] =	vst v63  }
0x12a: {  	_ = 	snop  }
0x12b: {  	[tilespmem:s16], [sflag:$0x1] =	stream.indirect_vreg.gather [hbm4b:s4+s2], $0x80, v4, vm1, $0xb8;
	[tilespmem:$0x1B180] =	vst v63  }
0x12c: {  	_ = 	snop  }
0x12d: {  	[tilespmem:s17], [sflag:$0x1] =	stream.indirect_vreg.gather [hbm4b:s3+s2], $0x80, v3, vm0, $0xb8;
	[tilespmem:$0x1B180] =	vst v63  }
0x12e: {  	_ = 	snop  }
0x12f: {  	[tilespmem:s18], [sflag:$0x1] =	stream.indirect_vreg.gather [hbm4b:s4+s2], $0x80, v3, vm1, $0xb8;
	[tilespmem:$0x1B180] =	vst v63  }
0x130: {  	v3 =	vld [tilespmem:$0xF0];
	_ =	sdelay $0x4  }
0x131: {  	v61 =	vshrl.u32 v3, $0x3  }
0x132: {  	v4 =	vmul.u32 $0x18, v61  }
0x133: {  	v3 =	vand.u32 $0x7, v3  }
0x134: {  	v3 =	vor.u32 v3, v4  }
0x135: {  	v4 =	vperm.xlane v3, v0;
	_ =	sdelay $0x1  }
0x136: {  	v4 =	vadd.s32 v1, v4;
	_ =	sdelay $0x1  }
0x137: {  	v3 =	vperm.xlane v3, v2;
	_ =	sdelay $0x1  }
0x138: {  	v3 =	vadd.s32 v1, v3  }
0x139: {  	[tilespmem:s19], [sflag:$0x1] =	stream.indirect_vreg.gather [hbm4b:s3+s2], $0x80, v4, vm0, $0xb8;
	[tilespmem:$0x1B180] =	vst v63  }
0x13a: {  	_ = 	snop  }
0x13b: {  	[tilespmem:s20], [sflag:$0x1] =	stream.indirect_vreg.gather [hbm4b:s4+s2], $0x80, v4, vm1, $0xb8;
	[tilespmem:$0x1B180] =	vst v63  }
0x13c: {  	_ = 	snop  }
0x13d: {  	[tilespmem:s21], [sflag:$0x1] =	stream.indirect_vreg.gather [hbm4b:s3+s2], $0x80, v3, vm0, $0xb8;
	[tilespmem:$0x1B180] =	vst v63  }
0x13e: {  	_ = 	snop  }
0x13f: {  	[tilespmem:s22], [sflag:$0x1] =	stream.indirect_vreg.gather [hbm4b:s4+s2], $0x80, v3, vm1, $0xb8;
	[tilespmem:$0x1B180] =	vst v63  }
0x140: {  	v3 =	vld [tilespmem:$0x100];
	_ =	sdelay $0x4  }
0x141: {  	v62 =	vshrl.u32 v3, $0x3  }
0x142: {  	v4 =	vmul.u32 $0x18, v62  }
0x143: {  	v3 =	vand.u32 $0x7, v3  }
0x144: {  	v3 =	vor.u32 v3, v4  }
0x145: {  	v4 =	vperm.xlane v3, v0;
	_ =	sdelay $0x1  }
0x146: {  	v4 =	vadd.s32 v1, v4;
	_ =	sdelay $0x1  }
0x147: {  	v3 =	vperm.xlane v3, v2;
	_ =	sdelay $0x1  }
0x148: {  	v3 =	vadd.s32 v1, v3  }
0x149: {  	[tilespmem:s23], [sflag:$0x1] =	stream.indirect_vreg.gather [hbm4b:s3+s2], $0x80, v4, vm0, $0xb8;
	[tilespmem:$0x1B180] =	vst v63  }
0x14a: {  	_ = 	snop  }
0x14b: {  	[tilespmem:s24], [sflag:$0x1] =	stream.indirect_vreg.gather [hbm4b:s4+s2], $0x80, v4, vm1, $0xb8;
	[tilespmem:$0x1B180] =	vst v63  }
0x14c: {  	_ = 	snop  }
0x14d: {  	[tilespmem:s25], [sflag:$0x1] =	stream.indirect_vreg.gather [hbm4b:s3+s2], $0x80, v3, vm0, $0xb8;
	[tilespmem:$0x1B180] =	vst v63  }
0x14e: {  	_ = 	snop  }
0x14f: {  	[tilespmem:s26], [sflag:$0x1] =	stream.indirect_vreg.gather [hbm4b:s4+s2], $0x80, v3, vm1, $0xb8;
	[tilespmem:$0x1B180] =	vst v63  }
0x150: {  	v3 =	vld [tilespmem:$0x110];
	_ =	sdelay $0x4  }
0x151: {  	v63 =	vshrl.u32 v3, $0x3  }
0x152: {  	v4 =	vmul.u32 $0x18, v63  }
0x153: {  	v3 =	vand.u32 $0x7, v3  }
0x154: {  	v3 =	vor.u32 v3, v4  }
0x155: {  	v4 =	vperm.xlane v3, v0;
	_ =	sdelay $0x1  }
0x156: {  	v4 =	vadd.s32 v1, v4;
	_ =	sdelay $0x1  }
0x157: {  	v3 =	vperm.xlane v3, v2;
	_ =	sdelay $0x1  }
0x158: {  	v3 =	vadd.s32 v1, v3  }
0x159: {  	[tilespmem:s28], [sflag:$0x1] =	stream.indirect_vreg.gather [hbm4b:s3+s2], $0x80, v4, vm0, $0xb8;
	[tilespmem:$0x1B180] =	vst v63  }
0x15a: {  	_ = 	snop  }
0x15b: {  	[tilespmem:s29], [sflag:$0x1] =	stream.indirect_vreg.gather [hbm4b:s4+s2], $0x80, v4, vm1, $0xb8;
	[tilespmem:$0x1B180] =	vst v63  }
0x15c: {  	_ = 	snop  }
0x15d: {  	[tilespmem:s30], [sflag:$0x1] =	stream.indirect_vreg.gather [hbm4b:s3+s2], $0x80, v3, vm0, $0xb8;
	[tilespmem:$0x1B180] =	vst v63  }
0x15e: {  	_ = 	snop  }
0x15f: {  	[tilespmem:s31], [sflag:$0x1] =	stream.indirect_vreg.gather [hbm4b:s4+s2], $0x80, v3, vm1, $0xb8;
	[tilespmem:$0x1B180] =	vst v63  }
0x160: {  	_ =	swait.ge [sflag:s1], $0x1B000  }
0x161: {  	p0 =	sne.s32 s5, $0x1;
	[sflag:s1] =	ssyncset.done $0x0  }
.Ltmp0:
0x162: {  	s8 =	rddreg [dreg:$0x4];
	[sflag:s1] =	ssyncadd.s32 $0xFFFE5000;
	(pc) =	sbr.rel @p0 .LBB2_1-.Ltmp0, $4  }
0x163: {  	[hbm4b:s8+s2] =	stream.linear.scatter [tilespmem:s7], [sflag:$0x2], $0x1B000, $0x38;
	[tilespmem:$0x1B180] =	vst v63  }
0x164: {  	_ =	swait.ge [sflag:s6], $0x1B000  }
0x165: {  	[sflag:s6] =	ssyncset.done $0x0  }
0x166: {  	s5 =	sadd.s32 $0xFFFFFFFF, s5;
	[sflag:s6] =	ssyncadd.s32 $0xFFFE5000  }
0x167: {  	_ =	sfence.sel $0x180000  }
0x168: {  	[bflag:$0x0] =	sbarrier.arrive $0xFFFF  }
0x169: {  	_ =	strace $0x90000047  }
0x16a: {  	s0 =	stileid.u32;
	[bflag:$0x2] =	sbarrier.arrive $0xFFFF  }
0x16b: {  	p0 =	sne.s32 s0, $0x0;
	s0 =	rddreg [dreg:$0x2]  }
0x16c: {  	s0 =	sadd.s32 @!p0 $0x100000, s0  }
0x16d: {  	[sflag:s0] =	ssyncadd.tile.s32 @!p0 $0x1;
	_ =	shalt  }
.Lfunc_end2:
_tile_overlayer_lowered:
.L_overlay_start_2:
0x16e: {  	(tag) =	ssettag $0x2  }
0x16f: {  	s0 =	rddreg [dreg:$0x0];
	s2 =	stileid.u32  }
0x170: {  	s1 =	rddreg [dreg:$0x1];
	p0 =	sne.s32 s2, $0x0  }
0x171: {  	s3 =	rddreg [dreg:$0x2];
	[bflag:$0x3] =	sbarrier.arrive $0xFFFF;
	s2 =	simm.s32 @!p0 $0x1C02  }
0x172: {  	[timem:s3], [sflag:s2] =	dma.local @!p0 [hbm:s0], s1  }
0x173: {  	s0 =	simm.s32 @!p0 $0x2  }
0x174: {  	_ =	swait.ge @!p0 [sflag:s0], s1  }
0x175: {  	s1 =	ssub.s32 @!p0 $0x0, s1;
	[sflag:s0] =	ssyncset.done @!p0 $0x0  }
0x176: {  	[sflag:s0] =	ssyncadd.s32 @!p0 s1  }
0x177: {  	[bflag:$0x3] =	sbarrier.arrive $0xFFFF  }
0x178: {  	_ =	shalt  }

</sc_bundles>
